<compile_context>
chip_gen: v7x
topology: tpu7x:2x2x1
jax: 0.10.2.dev20260603
libtpu: 0.0.44.dev20260713+nightly
codegen_flags: <defaults>
</compile_context>

<pallas_src>
import functools

import jax
import jax.numpy as jnp
import numpy as np
from jax import lax
from jax.experimental import pallas as pl
from jax.experimental.pallas import tpu as pltpu
from jax.experimental.pallas import tpu_sc as plsc

W = 32
R_TOTAL = 16384
R_SC = 2048
R_TC = R_TOTAL - R_SC
SLAB = 64
NCHUNK = R_SC // SLAB // W
SEQ = 1024

_SCALE = 3.5
_STEP = 2.0 / 7.0

BR = 4096
N_TC_BLOCKS = R_TC // BR



def _codes_chunk(x_v, f_v):
    lane4 = lax.broadcasted_iota(jnp.int32, (16,), 0) * 4
    zeros16 = jnp.zeros((16,), jnp.int32)

    @plsc.parallel_loop(0, SLAB, 1, unroll=2)
    def row_blk(r):
        rows = zeros16 + r
        for qtr in range(4):
            ids = []
            for j in range(4):
                cols = lane4 + (qtr * 64 + j)
                x = plsc.load_gather(x_v, [rows, cols])
                t = x * _SCALE + 4.0
                t = jnp.minimum(jnp.maximum(t, 0.0), 7.5)
                ids.append(t.astype(jnp.int32))
            flat = ids[0] | (ids[1] << 3) | (ids[2] << 6) | (ids[3] << 9)
            f_v[r, pl.ds(qtr * 16, 16)] = flat


def _sc_body(x_hbm, f_hbm, x0, x1, f0, f1, si0, si1, so0, so1):
    wid = lax.axis_index("s") * 2 + lax.axis_index("c")
    xb, fb = [x0, x1], [f0, f1]
    si, so = [si0, si1], [so0, so1]
    in_copy = [None, None]
    out_f = [None, None]

    def x_slab(k):
        row = R_TC + k * SLAB
        b = row // SEQ
        r0 = pl.multiple_of(row % SEQ, SLAB)
        return x_hbm.at[b, pl.ds(r0, SLAB)]

    k0 = wid * NCHUNK
    in_copy[0] = pltpu.async_copy(x_slab(k0), xb[0], si[0])
    for c in range(NCHUNK):
        b = c & 1
        if c + 1 < NCHUNK:
            in_copy[1 - b] = pltpu.async_copy(
                x_slab(k0 + c + 1), xb[1 - b], si[1 - b])
        in_copy[b].wait()
        if c >= 2:
            out_f[b].wait()
        _codes_chunk(xb[b], fb[b])
        off = pl.multiple_of((k0 + c) * SLAB, SLAB)
        out_f[b] = pltpu.async_copy(fb[b], f_hbm.at[pl.ds(off, SLAB)], so[b])
    for b in range(min(2, NCHUNK)):
        out_f[b].wait()


@functools.partial(
    pl.kernel,
    out_type=jax.ShapeDtypeStruct((R_SC, 64), jnp.int32),
    mesh=plsc.VectorSubcoreMesh(core_axis_name="c", subcore_axis_name="s"),
    scratch_types=(
        [pltpu.VMEM((SLAB, 256), jnp.float32) for _ in range(2)]
        + [pltpu.VMEM((SLAB, 64), jnp.int32) for _ in range(2)]
        + [pltpu.SemaphoreType.DMA for _ in range(4)]
    ),
    compiler_params=pltpu.CompilerParams(needs_layout_passes=False),
)
def _sc_call(x_hbm, f_hbm, *bufs):
    _sc_body(x_hbm, f_hbm, *bufs)



def _tc_body(x_ref, s_ref, q_ref, f_ref):
    i = pl.program_id(0)
    x = x_ref[...]
    t = jnp.floor(jnp.clip(x * _SCALE + 4.0, 0.0, 7.5))
    q_ref[...] = t * _STEP - 1.0

    @pl.when(i < N_TC_BLOCKS)
    def _codes():
        f_ref[...] = jnp.dot(
            t.astype(jnp.bfloat16), s_ref[...],
            preferred_element_type=jnp.float32).astype(jnp.int32)


def _tc_call(x2, sel):
    return pl.pallas_call(
        _tc_body,
        grid=(R_TOTAL // BR,),
        in_specs=[
            pl.BlockSpec((BR, 256), lambda i: (i, 0)),
            pl.BlockSpec((256, 64), lambda i: (0, 0)),
        ],
        out_specs=[
            pl.BlockSpec((BR, 256), lambda i: (i, 0)),
            pl.BlockSpec((BR, 64), lambda i: (i, 0)),
        ],
        out_shape=[
            jax.ShapeDtypeStruct((R_TOTAL, 256), jnp.float32),
            jax.ShapeDtypeStruct((R_TOTAL, 64), jnp.int32),
        ],
    )(x2, sel)


_SEL = np.zeros((256, 64), dtype=np.float32)
for _d in range(256):
    _SEL[_d, _d // 4] = float((1, 8, 64, 512)[_d % 4])


@jax.jit
def kernel(latents):
    bsz, seq_len, dim = latents.shape
    sel = jnp.asarray(_SEL, dtype=jnp.bfloat16)
    f_sc = _sc_call(latents)
    q, f_tc = _tc_call(latents.reshape(R_TOTAL, 256), sel)
    f = lax.dynamic_update_slice(f_tc, f_sc, (R_TC, 0))
    return (
        q.reshape(bsz, seq_len, dim),
        f.reshape(bsz, seq_len, dim // 4),
    )

# --- scband reference (transcript-rebuilt; emitter-appended) ---
"""Pipeline reference for scband-fsqquantizer-62216896250403 (READ-ONLY COPY).

The authoritative reference and input builder live on the scoring server;
editing this copy changes nothing except your own understanding.
"""

import jax, jax.numpy as jnp
import numpy as np

LEVELS = [8, 8, 8, 8]
CLIP = 1.0


def setup_inputs(seed: int = 0) -> dict:
    key = jax.random.key(seed)
    latents = jax.random.normal(key, (16, 1024, 256), dtype=jnp.float32)
    return {"latents": latents}


def _quantize_chunks(chunk):
    # chunk: (N, group_dim)
    chunk = jnp.clip(chunk, -CLIP, CLIP)
    cols = []
    flat = jnp.zeros((chunk.shape[0],), dtype=jnp.int32)
    mult = 1
    for dim_idx, level in enumerate(LEVELS):
        grid = jnp.linspace(-CLIP, CLIP, level, dtype=chunk.dtype)
        values = chunk[:, dim_idx][:, None]
        distances = jnp.abs(values - grid[None, :])
        best_idx = jnp.argmin(distances, axis=1).astype(jnp.int32)
        cols.append(jnp.take(grid, best_idx, axis=0))
        flat = flat + best_idx * mult
        mult *= level
    quantized = jnp.stack(cols, axis=1)
    return quantized, flat


def reference(latents):
    group_dim = len(LEVELS)
    bsz, seq_len, dim = latents.shape
    num_groups = dim // group_dim
    chunks = latents.reshape(-1, group_dim)
    quantized_chunks, indices = _quantize_chunks(chunks)
    quantized = quantized_chunks.reshape(bsz, seq_len, num_groups * group_dim)
    indices = indices.reshape(bsz, seq_len, num_groups)
    return quantized, indices

if __name__ == "__main__":
    import jax
    _d = setup_inputs()
    print(jax.jit(kernel)(*tuple(_d.values())))

</pallas_src>

<mosaic_0001>
#map = affine_map<(d0, d1) -> (0, 0, 0)>
#map1 = affine_map<(d0, d1) -> (0, 0)>
module attributes {stable_mosaic.version = 14 : i64} {
  func.func @_sc_call(%arg0: i32, %arg1: i32, %arg2: memref<16x1024x256xf32, #tpu.memory_space<hbm>>, %arg3: memref<2048x64xi32, #tpu.memory_space<hbm>>, %arg4: memref<64x256xf32, #tpu.memory_space<vmem>>, %arg5: memref<64x256xf32, #tpu.memory_space<vmem>>, %arg6: memref<64x64xi32, #tpu.memory_space<vmem>>, %arg7: memref<64x64xi32, #tpu.memory_space<vmem>>, %arg8: memref<!tpu.dma_semaphore, #tpu.memory_space<semaphore_mem>>, %arg9: memref<!tpu.dma_semaphore, #tpu.memory_space<semaphore_mem>>, %arg10: memref<!tpu.dma_semaphore, #tpu.memory_space<semaphore_mem>>, %arg11: memref<!tpu.dma_semaphore, #tpu.memory_space<semaphore_mem>>) attributes {dimension_semantics = [#tpu.dimension_semantics<core_parallel>, #tpu.dimension_semantics<subcore_parallel>], iteration_bounds = array<i64: 2, 16>, scalar_prefetch = 0 : i64, scratch_operands = 8 : i64, tpu.core_type = #tpu.core_type<sc_vector_subcore>, window_params = [{transform_indices = #map}, {transform_indices = #map1}]} {
    %mul3A = arith.constant 2 : i32
    %mul3A_0 = arith.muli %arg1, %mul3A : i32
    %add3A = arith.addi %mul3A_0, %arg0 : i32
    %mul3A_1 = arith.constant 1 : i32
    %mul3A_2 = arith.muli %add3A, %mul3A_1 : i32
    %mul3A_3 = arith.constant 64 : i32
    %mul3A_4 = arith.muli %mul3A_2, %mul3A_3 : i32
    %add3A_5 = arith.constant 14336 : i32
    %add3A_6 = arith.addi %add3A_5, %mul3A_4 : i32
    %jit3A = arith.constant 1024 : i32
    %div3A = arith.divsi %add3A_6, %jit3A : i32
    %sign3A = arith.constant 0 : i32
    %sign3A_7 = arith.cmpi sgt, %add3A_6, %sign3A : i32
    %sign3A_8 = arith.extui %sign3A_7 : i1 to i32
    %sign3A_9 = arith.constant 0 : i32
    %sign3A_10 = arith.cmpi slt, %add3A_6, %sign3A_9 : i32
    %sign3A_11 = arith.extui %sign3A_10 : i1 to i32
    %sign3A_12 = arith.subi %sign3A_8, %sign3A_11 : i32
    %sign3A_13 = arith.constant 0 : i32
    %sign3A_14 = arith.cmpi sgt, %jit3A, %sign3A_13 : i32
    %sign3A_15 = arith.extui %sign3A_14 : i1 to i32
    %sign3A_16 = arith.constant 0 : i32
    %sign3A_17 = arith.cmpi slt, %jit3A, %sign3A_16 : i32
    %sign3A_18 = arith.extui %sign3A_17 : i1 to i32
    %sign3A_19 = arith.subi %sign3A_15, %sign3A_18 : i32
    %ne3A = arith.cmpi ne, %sign3A_12, %sign3A_19 : i32
    %rem3A = arith.remsi %add3A_6, %jit3A : i32
    %ne3A_20 = arith.constant 0 : i32
    %ne3A_21 = arith.cmpi ne, %rem3A, %ne3A_20 : i32
    %and3A = arith.andi %ne3A, %ne3A_21 : i1
    %sub3A = arith.constant 1 : i32
    %sub3A_22 = arith.subi %div3A, %sub3A : i32
    %select_n3A = arith.select %and3A, %sub3A_22, %div3A : i32
    %jit3A_23 = arith.constant 1024 : i32
    %eq3A = arith.constant 0 : i32
    %eq3A_24 = arith.cmpi eq, %jit3A_23, %eq3A : i32
    %jit3A_25 = arith.constant 1 : i32
    %select_n3A_26 = arith.select %eq3A_24, %jit3A_25, %jit3A_23 : i32
    %rem3A_27 = arith.remsi %add3A_6, %select_n3A_26 : i32
    %ne3A_28 = arith.constant 0 : i32
    %ne3A_29 = arith.cmpi ne, %rem3A_27, %ne3A_28 : i32
    %lt3A = arith.constant 0 : i32
    %lt3A_30 = arith.cmpi slt, %rem3A_27, %lt3A : i32
    %lt3A_31 = arith.constant 0 : i32
    %lt3A_32 = arith.cmpi slt, %select_n3A_26, %lt3A_31 : i32
    %ne3A_33 = arith.xori %lt3A_30, %lt3A_32 : i1
    %and3A_34 = arith.andi %ne3A_33, %ne3A_29 : i1
    %add3A_35 = arith.addi %rem3A_27, %select_n3A_26 : i32
    %select_n3A_36 = arith.select %and3A_34, %add3A_35, %rem3A_27 : i32
    %multiple_of3A = tpu.assume_multiple %select_n3A_36, 64 : i32
    %dma_start3A = arith.constant 0 : i32
    %dma_start3A_37 = tpu.memref_slice %arg2[%select_n3A, %multiple_of3A, %dma_start3A] : memref<16x1024x256xf32, #tpu.memory_space<hbm>> -> memref<1x64x256xf32, #tpu.memory_space<hbm>>
    %dma_start3A_38 = tpu.memref_squeeze %dma_start3A_37 : memref<1x64x256xf32, #tpu.memory_space<hbm>> -> memref<64x256xf32, #tpu.memory_space<hbm>>
    %dma_start3A_39 = arith.constant 0 : i32
    %dma_start3A_40 = tpu.memref_slice %arg2[%select_n3A, %multiple_of3A, %dma_start3A_39] : memref<16x1024x256xf32, #tpu.memory_space<hbm>> -> memref<1x64x256xf32, #tpu.memory_space<hbm>>
    %dma_start3A_41 = tpu.memref_squeeze %dma_start3A_40 : memref<1x64x256xf32, #tpu.memory_space<hbm>> -> memref<64x256xf32, #tpu.memory_space<hbm>>
    tpu.enqueue_dma source(%dma_start3A_41 : memref<64x256xf32, #tpu.memory_space<hbm>>) target(%arg4 : memref<64x256xf32, #tpu.memory_space<vmem>>) target_semaphore(%arg8 : memref<!tpu.dma_semaphore, #tpu.memory_space<semaphore_mem>>)
    %dma_wait3A = arith.constant 0 : i32
    %dma_wait3A_42 = tpu.memref_slice %arg2[%select_n3A, %multiple_of3A, %dma_wait3A] : memref<16x1024x256xf32, #tpu.memory_space<hbm>> -> memref<1x64x256xf32, #tpu.memory_space<hbm>>
    %dma_wait3A_43 = tpu.memref_squeeze %dma_wait3A_42 : memref<1x64x256xf32, #tpu.memory_space<hbm>> -> memref<64x256xf32, #tpu.memory_space<hbm>>
    %dma_wait3A_44 = arith.constant 0 : i32
    %dma_wait3A_45 = tpu.memref_slice %arg2[%select_n3A, %multiple_of3A, %dma_wait3A_44] : memref<16x1024x256xf32, #tpu.memory_space<hbm>> -> memref<1x64x256xf32, #tpu.memory_space<hbm>>
    %dma_wait3A_46 = tpu.memref_squeeze %dma_wait3A_45 : memref<1x64x256xf32, #tpu.memory_space<hbm>> -> memref<64x256xf32, #tpu.memory_space<hbm>>
    tpu.wait_dma2 semaphore(%arg8 : memref<!tpu.dma_semaphore, #tpu.memory_space<semaphore_mem>>) src(%dma_wait3A_46 : memref<64x256xf32, #tpu.memory_space<hbm>>) dst(%arg4 : memref<64x256xf32, #tpu.memory_space<vmem>>)
    %iota3A = tpu.iota {dimensions = array<i32: 0>} : vector<16xi32>
    %mul3A_47 = arith.constant 4 : i32
    %mul3A_48 = vector.broadcast %mul3A_47 : i32 to vector<16xi32>
    %mul3A_49 = arith.muli %iota3A, %mul3A_48 : vector<16xi32>
    %broadcast_in_dim3A = arith.constant 0 : i32
    %broadcast_in_dim3A_50 = vector.broadcast %broadcast_in_dim3A : i32 to vector<16xi32>
    %parallel_loop3A = arith.constant 0 : i32
    %parallel_loop3A_51 = arith.constant 64 : i32
    %parallel_loop3A_52 = arith.constant 1 : i32
    scf.for %parallel_loop3A_66 = %parallel_loop3A to %parallel_loop3A_51 step %parallel_loop3A_52  : i32 {
      %parallel_loop3A_67 = vector.broadcast %parallel_loop3A_66 : i32 to vector<16xi32>
      %parallel_loop3A_68 = arith.addi %broadcast_in_dim3A_50, %parallel_loop3A_67 : vector<16xi32>
      %parallel_loop3A_69 = arith.constant 0 : i32
      %parallel_loop3A_70 = vector.broadcast %parallel_loop3A_69 : i32 to vector<16xi32>
      %parallel_loop3A_71 = arith.addi %mul3A_49, %parallel_loop3A_70 : vector<16xi32>
      %parallel_loop3A_72 = tpu.vector_load_idx %arg4[%parallel_loop3A_68, %parallel_loop3A_71] : memref<64x256xf32, #tpu.memory_space<vmem>>[vector<16xi32>, vector<16xi32>], vector<16xf32>,
      %parallel_loop3A_73 = arith.constant 3.500000e+00 : f32
      %parallel_loop3A_74 = vector.broadcast %parallel_loop3A_73 : f32 to vector<16xf32>
      %parallel_loop3A_75 = arith.mulf %parallel_loop3A_72, %parallel_loop3A_74 : vector<16xf32>
      %parallel_loop3A_76 = arith.constant 4.000000e+00 : f32
      %parallel_loop3A_77 = vector.broadcast %parallel_loop3A_76 : f32 to vector<16xf32>
      %parallel_loop3A_78 = arith.addf %parallel_loop3A_75, %parallel_loop3A_77 : vector<16xf32>
      %parallel_loop3A_79 = arith.constant 0.000000e+00 : f32
      %parallel_loop3A_80 = vector.broadcast %parallel_loop3A_79 : f32 to vector<16xf32>
      %parallel_loop3A_81 = arith.maximumf %parallel_loop3A_78, %parallel_loop3A_80 : vector<16xf32>
      %parallel_loop3A_82 = arith.constant 7.500000e+00 : f32
      %parallel_loop3A_83 = vector.broadcast %parallel_loop3A_82 : f32 to vector<16xf32>
      %parallel_loop3A_84 = arith.minimumf %parallel_loop3A_81, %parallel_loop3A_83 : vector<16xf32>
      %parallel_loop3A_85 = arith.fptosi %parallel_loop3A_84 : vector<16xf32> to vector<16xi32>
      %parallel_loop3A_86 = arith.constant 1 : i32
      %parallel_loop3A_87 = vector.broadcast %parallel_loop3A_86 : i32 to vector<16xi32>
      %parallel_loop3A_88 = arith.addi %mul3A_49, %parallel_loop3A_87 : vector<16xi32>
      %parallel_loop3A_89 = tpu.vector_load_idx %arg4[%parallel_loop3A_68, %parallel_loop3A_88] : memref<64x256xf32, #tpu.memory_space<vmem>>[vector<16xi32>, vector<16xi32>], vector<16xf32>,
      %parallel_loop3A_90 = arith.constant 3.500000e+00 : f32
      %parallel_loop3A_91 = vector.broadcast %parallel_loop3A_90 : f32 to vector<16xf32>
      %parallel_loop3A_92 = arith.mulf %parallel_loop3A_89, %parallel_loop3A_91 : vector<16xf32>
      %parallel_loop3A_93 = arith.constant 4.000000e+00 : f32
      %parallel_loop3A_94 = vector.broadcast %parallel_loop3A_93 : f32 to vector<16xf32>
      %parallel_loop3A_95 = arith.addf %parallel_loop3A_92, %parallel_loop3A_94 : vector<16xf32>
      %parallel_loop3A_96 = arith.constant 0.000000e+00 : f32
      %parallel_loop3A_97 = vector.broadcast %parallel_loop3A_96 : f32 to vector<16xf32>
      %parallel_loop3A_98 = arith.maximumf %parallel_loop3A_95, %parallel_loop3A_97 : vector<16xf32>
      %parallel_loop3A_99 = arith.constant 7.500000e+00 : f32
      %parallel_loop3A_100 = vector.broadcast %parallel_loop3A_99 : f32 to vector<16xf32>
      %parallel_loop3A_101 = arith.minimumf %parallel_loop3A_98, %parallel_loop3A_100 : vector<16xf32>
      %parallel_loop3A_102 = arith.fptosi %parallel_loop3A_101 : vector<16xf32> to vector<16xi32>
      %parallel_loop3A_103 = arith.constant 2 : i32
      %parallel_loop3A_104 = vector.broadcast %parallel_loop3A_103 : i32 to vector<16xi32>
      %parallel_loop3A_105 = arith.addi %mul3A_49, %parallel_loop3A_104 : vector<16xi32>
      %parallel_loop3A_106 = tpu.vector_load_idx %arg4[%parallel_loop3A_68, %parallel_loop3A_105] : memref<64x256xf32, #tpu.memory_space<vmem>>[vector<16xi32>, vector<16xi32>], vector<16xf32>,
      %parallel_loop3A_107 = arith.constant 3.500000e+00 : f32
      %parallel_loop3A_108 = vector.broadcast %parallel_loop3A_107 : f32 to vector<16xf32>
      %parallel_loop3A_109 = arith.mulf %parallel_loop3A_106, %parallel_loop3A_108 : vector<16xf32>
      %parallel_loop3A_110 = arith.constant 4.000000e+00 : f32
      %parallel_loop3A_111 = vector.broadcast %parallel_loop3A_110 : f32 to vector<16xf32>
      %parallel_loop3A_112 = arith.addf %parallel_loop3A_109, %parallel_loop3A_111 : vector<16xf32>
      %parallel_loop3A_113 = arith.constant 0.000000e+00 : f32
      %parallel_loop3A_114 = vector.broadcast %parallel_loop3A_113 : f32 to vector<16xf32>
      %parallel_loop3A_115 = arith.maximumf %parallel_loop3A_112, %parallel_loop3A_114 : vector<16xf32>
      %parallel_loop3A_116 = arith.constant 7.500000e+00 : f32
      %parallel_loop3A_117 = vector.broadcast %parallel_loop3A_116 : f32 to vector<16xf32>
      %parallel_loop3A_118 = arith.minimumf %parallel_loop3A_115, %parallel_loop3A_117 : vector<16xf32>
      %parallel_loop3A_119 = arith.fptosi %parallel_loop3A_118 : vector<16xf32> to vector<16xi32>
      %parallel_loop3A_120 = arith.constant 3 : i32
      %parallel_loop3A_121 = vector.broadcast %parallel_loop3A_120 : i32 to vector<16xi32>
      %parallel_loop3A_122 = arith.addi %mul3A_49, %parallel_loop3A_121 : vector<16xi32>
      %parallel_loop3A_123 = tpu.vector_load_idx %arg4[%parallel_loop3A_68, %parallel_loop3A_122] : memref<64x256xf32, #tpu.memory_space<vmem>>[vector<16xi32>, vector<16xi32>], vector<16xf32>,
      %parallel_loop3A_124 = arith.constant 3.500000e+00 : f32
      %parallel_loop3A_125 = vector.broadcast %parallel_loop3A_124 : f32 to vector<16xf32>
      %parallel_loop3A_126 = arith.mulf %parallel_loop3A_123, %parallel_loop3A_125 : vector<16xf32>
      %parallel_loop3A_127 = arith.constant 4.000000e+00 : f32
      %parallel_loop3A_128 = vector.broadcast %parallel_loop3A_127 : f32 to vector<16xf32>
      %parallel_loop3A_129 = arith.addf %parallel_loop3A_126, %parallel_loop3A_128 : vector<16xf32>
      %parallel_loop3A_130 = arith.constant 0.000000e+00 : f32
      %parallel_loop3A_131 = vector.broadcast %parallel_loop3A_130 : f32 to vector<16xf32>
      %parallel_loop3A_132 = arith.maximumf %parallel_loop3A_129, %parallel_loop3A_131 : vector<16xf32>
      %parallel_loop3A_133 = arith.constant 7.500000e+00 : f32
      %parallel_loop3A_134 = vector.broadcast %parallel_loop3A_133 : f32 to vector<16xf32>
      %parallel_loop3A_135 = arith.minimumf %parallel_loop3A_132, %parallel_loop3A_134 : vector<16xf32>
      %parallel_loop3A_136 = arith.fptosi %parallel_loop3A_135 : vector<16xf32> to vector<16xi32>
      %parallel_loop3A_137 = arith.constant 3 : i32
      %parallel_loop3A_138 = vector.broadcast %parallel_loop3A_137 : i32 to vector<16xi32>
      %parallel_loop3A_139 = arith.shli %parallel_loop3A_102, %parallel_loop3A_138 : vector<16xi32>
      %parallel_loop3A_140 = arith.ori %parallel_loop3A_85, %parallel_loop3A_139 : vector<16xi32>
      %parallel_loop3A_141 = arith.constant 6 : i32
      %parallel_loop3A_142 = vector.broadcast %parallel_loop3A_141 : i32 to vector<16xi32>
      %parallel_loop3A_143 = arith.shli %parallel_loop3A_119, %parallel_loop3A_142 : vector<16xi32>
      %parallel_loop3A_144 = arith.ori %parallel_loop3A_140, %parallel_loop3A_143 : vector<16xi32>
      %parallel_loop3A_145 = arith.constant 9 : i32
      %parallel_loop3A_146 = vector.broadcast %parallel_loop3A_145 : i32 to vector<16xi32>
      %parallel_loop3A_147 = arith.shli %parallel_loop3A_136, %parallel_loop3A_146 : vector<16xi32>
      %parallel_loop3A_148 = arith.ori %parallel_loop3A_144, %parallel_loop3A_147 : vector<16xi32>
      %parallel_loop3A_149 = arith.index_cast %parallel_loop3A_66 : i32 to index
      %parallel_loop3A_150 = arith.constant 0 : index
      %parallel_loop3A_151 = tpu.vector_load %arg6[%parallel_loop3A_149, %parallel_loop3A_150] {strides = array<i32>} : memref<64x64xi32, #tpu.memory_space<vmem>>, vector<16xi32>,
      tpu.vector_store %arg6[%parallel_loop3A_149, %parallel_loop3A_150], %parallel_loop3A_148 {strides = array<i32>} : memref<64x64xi32, #tpu.memory_space<vmem>>, vector<16xi32>,
      %parallel_loop3A_152 = arith.constant 64 : i32
      %parallel_loop3A_153 = vector.broadcast %parallel_loop3A_152 : i32 to vector<16xi32>
      %parallel_loop3A_154 = arith.addi %mul3A_49, %parallel_loop3A_153 : vector<16xi32>
      %parallel_loop3A_155 = tpu.vector_load_idx %arg4[%parallel_loop3A_68, %parallel_loop3A_154] : memref<64x256xf32, #tpu.memory_space<vmem>>[vector<16xi32>, vector<16xi32>], vector<16xf32>,
      %parallel_loop3A_156 = arith.constant 3.500000e+00 : f32
      %parallel_loop3A_157 = vector.broadcast %parallel_loop3A_156 : f32 to vector<16xf32>
      %parallel_loop3A_158 = arith.mulf %parallel_loop3A_155, %parallel_loop3A_157 : vector<16xf32>
      %parallel_loop3A_159 = arith.constant 4.000000e+00 : f32
      %parallel_loop3A_160 = vector.broadcast %parallel_loop3A_159 : f32 to vector<16xf32>
      %parallel_loop3A_161 = arith.addf %parallel_loop3A_158, %parallel_loop3A_160 : vector<16xf32>
      %parallel_loop3A_162 = arith.constant 0.000000e+00 : f32
      %parallel_loop3A_163 = vector.broadcast %parallel_loop3A_162 : f32 to vector<16xf32>
      %parallel_loop3A_164 = arith.maximumf %parallel_loop3A_161, %parallel_loop3A_163 : vector<16xf32>
      %parallel_loop3A_165 = arith.constant 7.500000e+00 : f32
      %parallel_loop3A_166 = vector.broadcast %parallel_loop3A_165 : f32 to vector<16xf32>
      %parallel_loop3A_167 = arith.minimumf %parallel_loop3A_164, %parallel_loop3A_166 : vector<16xf32>
      %parallel_loop3A_168 = arith.fptosi %parallel_loop3A_167 : vector<16xf32> to vector<16xi32>
      %parallel_loop3A_169 = arith.constant 65 : i32
      %parallel_loop3A_170 = vector.broadcast %parallel_loop3A_169 : i32 to vector<16xi32>
      %parallel_loop3A_171 = arith.addi %mul3A_49, %parallel_loop3A_170 : vector<16xi32>
      %parallel_loop3A_172 = tpu.vector_load_idx %arg4[%parallel_loop3A_68, %parallel_loop3A_171] : memref<64x256xf32, #tpu.memory_space<vmem>>[vector<16xi32>, vector<16xi32>], vector<16xf32>,
      %parallel_loop3A_173 = arith.constant 3.500000e+00 : f32
      %parallel_loop3A_174 = vector.broadcast %parallel_loop3A_173 : f32 to vector<16xf32>
      %parallel_loop3A_175 = arith.mulf %parallel_loop3A_172, %parallel_loop3A_174 : vector<16xf32>
      %parallel_loop3A_176 = arith.constant 4.000000e+00 : f32
      %parallel_loop3A_177 = vector.broadcast %parallel_loop3A_176 : f32 to vector<16xf32>
      %parallel_loop3A_178 = arith.addf %parallel_loop3A_175, %parallel_loop3A_177 : vector<16xf32>
      %parallel_loop3A_179 = arith.constant 0.000000e+00 : f32
      %parallel_loop3A_180 = vector.broadcast %parallel_loop3A_179 : f32 to vector<16xf32>
      %parallel_loop3A_181 = arith.maximumf %parallel_loop3A_178, %parallel_loop3A_180 : vector<16xf32>
      %parallel_loop3A_182 = arith.constant 7.500000e+00 : f32
      %parallel_loop3A_183 = vector.broadcast %parallel_loop3A_182 : f32 to vector<16xf32>
      %parallel_loop3A_184 = arith.minimumf %parallel_loop3A_181, %parallel_loop3A_183 : vector<16xf32>
      %parallel_loop3A_185 = arith.fptosi %parallel_loop3A_184 : vector<16xf32> to vector<16xi32>
      %parallel_loop3A_186 = arith.constant 66 : i32
      %parallel_loop3A_187 = vector.broadcast %parallel_loop3A_186 : i32 to vector<16xi32>
      %parallel_loop3A_188 = arith.addi %mul3A_49, %parallel_loop3A_187 : vector<16xi32>
      %parallel_loop3A_189 = tpu.vector_load_idx %arg4[%parallel_loop3A_68, %parallel_loop3A_188] : memref<64x256xf32, #tpu.memory_space<vmem>>[vector<16xi32>, vector<16xi32>], vector<16xf32>,
      %parallel_loop3A_190 = arith.constant 3.500000e+00 : f32
      %parallel_loop3A_191 = vector.broadcast %parallel_loop3A_190 : f32 to vector<16xf32>
      %parallel_loop3A_192 = arith.mulf %parallel_loop3A_189, %parallel_loop3A_191 : vector<16xf32>
      %parallel_loop3A_193 = arith.constant 4.000000e+00 : f32
      %parallel_loop3A_194 = vector.broadcast %parallel_loop3A_193 : f32 to vector<16xf32>
      %parallel_loop3A_195 = arith.addf %parallel_loop3A_192, %parallel_loop3A_194 : vector<16xf32>
      %parallel_loop3A_196 = arith.constant 0.000000e+00 : f32
      %parallel_loop3A_197 = vector.broadcast %parallel_loop3A_196 : f32 to vector<16xf32>
      %parallel_loop3A_198 = arith.maximumf %parallel_loop3A_195, %parallel_loop3A_197 : vector<16xf32>
      %parallel_loop3A_199 = arith.constant 7.500000e+00 : f32
      %parallel_loop3A_200 = vector.broadcast %parallel_loop3A_199 : f32 to vector<16xf32>
      %parallel_loop3A_201 = arith.minimumf %parallel_loop3A_198, %parallel_loop3A_200 : vector<16xf32>
      %parallel_loop3A_202 = arith.fptosi %parallel_loop3A_201 : vector<16xf32> to vector<16xi32>
      %parallel_loop3A_203 = arith.constant 67 : i32
      %parallel_loop3A_204 = vector.broadcast %parallel_loop3A_203 : i32 to vector<16xi32>
      %parallel_loop3A_205 = arith.addi %mul3A_49, %parallel_loop3A_204 : vector<16xi32>
      %parallel_loop3A_206 = tpu.vector_load_idx %arg4[%parallel_loop3A_68, %parallel_loop3A_205] : memref<64x256xf32, #tpu.memory_space<vmem>>[vector<16xi32>, vector<16xi32>], vector<16xf32>,
      %parallel_loop3A_207 = arith.constant 3.500000e+00 : f32
      %parallel_loop3A_208 = vector.broadcast %parallel_loop3A_207 : f32 to vector<16xf32>
      %parallel_loop3A_209 = arith.mulf %parallel_loop3A_206, %parallel_loop3A_208 : vector<16xf32>
      %parallel_loop3A_210 = arith.constant 4.000000e+00 : f32
      %parallel_loop3A_211 = vector.broadcast %parallel_loop3A_210 : f32 to vector<16xf32>
      %parallel_loop3A_212 = arith.addf %parallel_loop3A_209, %parallel_loop3A_211 : vector<16xf32>
      %parallel_loop3A_213 = arith.constant 0.000000e+00 : f32
      %parallel_loop3A_214 = vector.broadcast %parallel_loop3A_213 : f32 to vector<16xf32>
      %parallel_loop3A_215 = arith.maximumf %parallel_loop3A_212, %parallel_loop3A_214 : vector<16xf32>
      %parallel_loop3A_216 = arith.constant 7.500000e+00 : f32
      %parallel_loop3A_217 = vector.broadcast %parallel_loop3A_216 : f32 to vector<16xf32>
      %parallel_loop3A_218 = arith.minimumf %parallel_loop3A_215, %parallel_loop3A_217 : vector<16xf32>
      %parallel_loop3A_219 = arith.fptosi %parallel_loop3A_218 : vector<16xf32> to vector<16xi32>
      %parallel_loop3A_220 = arith.constant 3 : i32
      %parallel_loop3A_221 = vector.broadcast %parallel_loop3A_220 : i32 to vector<16xi32>
      %parallel_loop3A_222 = arith.shli %parallel_loop3A_185, %parallel_loop3A_221 : vector<16xi32>
      %parallel_loop3A_223 = arith.ori %parallel_loop3A_168, %parallel_loop3A_222 : vector<16xi32>
      %parallel_loop3A_224 = arith.constant 6 : i32
      %parallel_loop3A_225 = vector.broadcast %parallel_loop3A_224 : i32 to vector<16xi32>
      %parallel_loop3A_226 = arith.shli %parallel_loop3A_202, %parallel_loop3A_225 : vector<16xi32>
      %parallel_loop3A_227 = arith.ori %parallel_loop3A_223, %parallel_loop3A_226 : vector<16xi32>
      %parallel_loop3A_228 = arith.constant 9 : i32
      %parallel_loop3A_229 = vector.broadcast %parallel_loop3A_228 : i32 to vector<16xi32>
      %parallel_loop3A_230 = arith.shli %parallel_loop3A_219, %parallel_loop3A_229 : vector<16xi32>
      %parallel_loop3A_231 = arith.ori %parallel_loop3A_227, %parallel_loop3A_230 : vector<16xi32>
      %parallel_loop3A_232 = arith.index_cast %parallel_loop3A_66 : i32 to index
      %parallel_loop3A_233 = arith.constant 16 : index
      %parallel_loop3A_234 = tpu.vector_load %arg6[%parallel_loop3A_232, %parallel_loop3A_233] {strides = array<i32>} : memref<64x64xi32, #tpu.memory_space<vmem>>, vector<16xi32>,
      tpu.vector_store %arg6[%parallel_loop3A_232, %parallel_loop3A_233], %parallel_loop3A_231 {strides = array<i32>} : memref<64x64xi32, #tpu.memory_space<vmem>>, vector<16xi32>,
      %parallel_loop3A_235 = arith.constant 128 : i32
      %parallel_loop3A_236 = vector.broadcast %parallel_loop3A_235 : i32 to vector<16xi32>
      %parallel_loop3A_237 = arith.addi %mul3A_49, %parallel_loop3A_236 : vector<16xi32>
      %parallel_loop3A_238 = tpu.vector_load_idx %arg4[%parallel_loop3A_68, %parallel_loop3A_237] : memref<64x256xf32, #tpu.memory_space<vmem>>[vector<16xi32>, vector<16xi32>], vector<16xf32>,
      %parallel_loop3A_239 = arith.constant 3.500000e+00 : f32
      %parallel_loop3A_240 = vector.broadcast %parallel_loop3A_239 : f32 to vector<16xf32>
      %parallel_loop3A_241 = arith.mulf %parallel_loop3A_238, %parallel_loop3A_240 : vector<16xf32>
      %parallel_loop3A_242 = arith.constant 4.000000e+00 : f32
      %parallel_loop3A_243 = vector.broadcast %parallel_loop3A_242 : f32 to vector<16xf32>
      %parallel_loop3A_244 = arith.addf %parallel_loop3A_241, %parallel_loop3A_243 : vector<16xf32>
      %parallel_loop3A_245 = arith.constant 0.000000e+00 : f32
      %parallel_loop3A_246 = vector.broadcast %parallel_loop3A_245 : f32 to vector<16xf32>
      %parallel_loop3A_247 = arith.maximumf %parallel_loop3A_244, %parallel_loop3A_246 : vector<16xf32>
      %parallel_loop3A_248 = arith.constant 7.500000e+00 : f32
      %parallel_loop3A_249 = vector.broadcast %parallel_loop3A_248 : f32 to vector<16xf32>
      %parallel_loop3A_250 = arith.minimumf %parallel_loop3A_247, %parallel_loop3A_249 : vector<16xf32>
      %parallel_loop3A_251 = arith.fptosi %parallel_loop3A_250 : vector<16xf32> to vector<16xi32>
      %parallel_loop3A_252 = arith.constant 129 : i32
      %parallel_loop3A_253 = vector.broadcast %parallel_loop3A_252 : i32 to vector<16xi32>
      %parallel_loop3A_254 = arith.addi %mul3A_49, %parallel_loop3A_253 : vector<16xi32>
      %parallel_loop3A_255 = tpu.vector_load_idx %arg4[%parallel_loop3A_68, %parallel_loop3A_254] : memref<64x256xf32, #tpu.memory_space<vmem>>[vector<16xi32>, vector<16xi32>], vector<16xf32>,
      %parallel_loop3A_256 = arith.constant 3.500000e+00 : f32
      %parallel_loop3A_257 = vector.broadcast %parallel_loop3A_256 : f32 to vector<16xf32>
      %parallel_loop3A_258 = arith.mulf %parallel_loop3A_255, %parallel_loop3A_257 : vector<16xf32>
      %parallel_loop3A_259 = arith.constant 4.000000e+00 : f32
      %parallel_loop3A_260 = vector.broadcast %parallel_loop3A_259 : f32 to vector<16xf32>
      %parallel_loop3A_261 = arith.addf %parallel_loop3A_258, %parallel_loop3A_260 : vector<16xf32>
      %parallel_loop3A_262 = arith.constant 0.000000e+00 : f32
      %parallel_loop3A_263 = vector.broadcast %parallel_loop3A_262 : f32 to vector<16xf32>
      %parallel_loop3A_264 = arith.maximumf %parallel_loop3A_261, %parallel_loop3A_263 : vector<16xf32>
      %parallel_loop3A_265 = arith.constant 7.500000e+00 : f32
      %parallel_loop3A_266 = vector.broadcast %parallel_loop3A_265 : f32 to vector<16xf32>
      %parallel_loop3A_267 = arith.minimumf %parallel_loop3A_264, %parallel_loop3A_266 : vector<16xf32>
      %parallel_loop3A_268 = arith.fptosi %parallel_loop3A_267 : vector<16xf32> to vector<16xi32>
      %parallel_loop3A_269 = arith.constant 130 : i32
      %parallel_loop3A_270 = vector.broadcast %parallel_loop3A_269 : i32 to vector<16xi32>
      %parallel_loop3A_271 = arith.addi %mul3A_49, %parallel_loop3A_270 : vector<16xi32>
      %parallel_loop3A_272 = tpu.vector_load_idx %arg4[%parallel_loop3A_68, %parallel_loop3A_271] : memref<64x256xf32, #tpu.memory_space<vmem>>[vector<16xi32>, vector<16xi32>], vector<16xf32>,
      %parallel_loop3A_273 = arith.constant 3.500000e+00 : f32
      %parallel_loop3A_274 = vector.broadcast %parallel_loop3A_273 : f32 to vector<16xf32>
      %parallel_loop3A_275 = arith.mulf %parallel_loop3A_272, %parallel_loop3A_274 : vector<16xf32>
      %parallel_loop3A_276 = arith.constant 4.000000e+00 : f32
      %parallel_loop3A_277 = vector.broadcast %parallel_loop3A_276 : f32 to vector<16xf32>
      %parallel_loop3A_278 = arith.addf %parallel_loop3A_275, %parallel_loop3A_277 : vector<16xf32>
      %parallel_loop3A_279 = arith.constant 0.000000e+00 : f32
      %parallel_loop3A_280 = vector.broadcast %parallel_loop3A_279 : f32 to vector<16xf32>
      %parallel_loop3A_281 = arith.maximumf %parallel_loop3A_278, %parallel_loop3A_280 : vector<16xf32>
      %parallel_loop3A_282 = arith.constant 7.500000e+00 : f32
      %parallel_loop3A_283 = vector.broadcast %parallel_loop3A_282 : f32 to vector<16xf32>
      %parallel_loop3A_284 = arith.minimumf %parallel_loop3A_281, %parallel_loop3A_283 : vector<16xf32>
      %parallel_loop3A_285 = arith.fptosi %parallel_loop3A_284 : vector<16xf32> to vector<16xi32>
      %parallel_loop3A_286 = arith.constant 131 : i32
      %parallel_loop3A_287 = vector.broadcast %parallel_loop3A_286 : i32 to vector<16xi32>
      %parallel_loop3A_288 = arith.addi %mul3A_49, %parallel_loop3A_287 : vector<16xi32>
      %parallel_loop3A_289 = tpu.vector_load_idx %arg4[%parallel_loop3A_68, %parallel_loop3A_288] : memref<64x256xf32, #tpu.memory_space<vmem>>[vector<16xi32>, vector<16xi32>], vector<16xf32>,
      %parallel_loop3A_290 = arith.constant 3.500000e+00 : f32
      %parallel_loop3A_291 = vector.broadcast %parallel_loop3A_290 : f32 to vector<16xf32>
      %parallel_loop3A_292 = arith.mulf %parallel_loop3A_289, %parallel_loop3A_291 : vector<16xf32>
      %parallel_loop3A_293 = arith.constant 4.000000e+00 : f32
      %parallel_loop3A_294 = vector.broadcast %parallel_loop3A_293 : f32 to vector<16xf32>
      %parallel_loop3A_295 = arith.addf %parallel_loop3A_292, %parallel_loop3A_294 : vector<16xf32>
      %parallel_loop3A_296 = arith.constant 0.000000e+00 : f32
      %parallel_loop3A_297 = vector.broadcast %parallel_loop3A_296 : f32 to vector<16xf32>
      %parallel_loop3A_298 = arith.maximumf %parallel_loop3A_295, %parallel_loop3A_297 : vector<16xf32>
      %parallel_loop3A_299 = arith.constant 7.500000e+00 : f32
      %parallel_loop3A_300 = vector.broadcast %parallel_loop3A_299 : f32 to vector<16xf32>
      %parallel_loop3A_301 = arith.minimumf %parallel_loop3A_298, %parallel_loop3A_300 : vector<16xf32>
      %parallel_loop3A_302 = arith.fptosi %parallel_loop3A_301 : vector<16xf32> to vector<16xi32>
      %parallel_loop3A_303 = arith.constant 3 : i32
      %parallel_loop3A_304 = vector.broadcast %parallel_loop3A_303 : i32 to vector<16xi32>
      %parallel_loop3A_305 = arith.shli %parallel_loop3A_268, %parallel_loop3A_304 : vector<16xi32>
      %parallel_loop3A_306 = arith.ori %parallel_loop3A_251, %parallel_loop3A_305 : vector<16xi32>
      %parallel_loop3A_307 = arith.constant 6 : i32
      %parallel_loop3A_308 = vector.broadcast %parallel_loop3A_307 : i32 to vector<16xi32>
      %parallel_loop3A_309 = arith.shli %parallel_loop3A_285, %parallel_loop3A_308 : vector<16xi32>
      %parallel_loop3A_310 = arith.ori %parallel_loop3A_306, %parallel_loop3A_309 : vector<16xi32>
      %parallel_loop3A_311 = arith.constant 9 : i32
      %parallel_loop3A_312 = vector.broadcast %parallel_loop3A_311 : i32 to vector<16xi32>
      %parallel_loop3A_313 = arith.shli %parallel_loop3A_302, %parallel_loop3A_312 : vector<16xi32>
      %parallel_loop3A_314 = arith.ori %parallel_loop3A_310, %parallel_loop3A_313 : vector<16xi32>
      %parallel_loop3A_315 = arith.index_cast %parallel_loop3A_66 : i32 to index
      %parallel_loop3A_316 = arith.constant 32 : index
      %parallel_loop3A_317 = tpu.vector_load %arg6[%parallel_loop3A_315, %parallel_loop3A_316] {strides = array<i32>} : memref<64x64xi32, #tpu.memory_space<vmem>>, vector<16xi32>,
      tpu.vector_store %arg6[%parallel_loop3A_315, %parallel_loop3A_316], %parallel_loop3A_314 {strides = array<i32>} : memref<64x64xi32, #tpu.memory_space<vmem>>, vector<16xi32>,
      %parallel_loop3A_318 = arith.constant 192 : i32
      %parallel_loop3A_319 = vector.broadcast %parallel_loop3A_318 : i32 to vector<16xi32>
      %parallel_loop3A_320 = arith.addi %mul3A_49, %parallel_loop3A_319 : vector<16xi32>
      %parallel_loop3A_321 = tpu.vector_load_idx %arg4[%parallel_loop3A_68, %parallel_loop3A_320] : memref<64x256xf32, #tpu.memory_space<vmem>>[vector<16xi32>, vector<16xi32>], vector<16xf32>,
      %parallel_loop3A_322 = arith.constant 3.500000e+00 : f32
      %parallel_loop3A_323 = vector.broadcast %parallel_loop3A_322 : f32 to vector<16xf32>
      %parallel_loop3A_324 = arith.mulf %parallel_loop3A_321, %parallel_loop3A_323 : vector<16xf32>
      %parallel_loop3A_325 = arith.constant 4.000000e+00 : f32
      %parallel_loop3A_326 = vector.broadcast %parallel_loop3A_325 : f32 to vector<16xf32>
      %parallel_loop3A_327 = arith.addf %parallel_loop3A_324, %parallel_loop3A_326 : vector<16xf32>
      %parallel_loop3A_328 = arith.constant 0.000000e+00 : f32
      %parallel_loop3A_329 = vector.broadcast %parallel_loop3A_328 : f32 to vector<16xf32>
      %parallel_loop3A_330 = arith.maximumf %parallel_loop3A_327, %parallel_loop3A_329 : vector<16xf32>
      %parallel_loop3A_331 = arith.constant 7.500000e+00 : f32
      %parallel_loop3A_332 = vector.broadcast %parallel_loop3A_331 : f32 to vector<16xf32>
      %parallel_loop3A_333 = arith.minimumf %parallel_loop3A_330, %parallel_loop3A_332 : vector<16xf32>
      %parallel_loop3A_334 = arith.fptosi %parallel_loop3A_333 : vector<16xf32> to vector<16xi32>
      %parallel_loop3A_335 = arith.constant 193 : i32
      %parallel_loop3A_336 = vector.broadcast %parallel_loop3A_335 : i32 to vector<16xi32>
      %parallel_loop3A_337 = arith.addi %mul3A_49, %parallel_loop3A_336 : vector<16xi32>
      %parallel_loop3A_338 = tpu.vector_load_idx %arg4[%parallel_loop3A_68, %parallel_loop3A_337] : memref<64x256xf32, #tpu.memory_space<vmem>>[vector<16xi32>, vector<16xi32>], vector<16xf32>,
      %parallel_loop3A_339 = arith.constant 3.500000e+00 : f32
      %parallel_loop3A_340 = vector.broadcast %parallel_loop3A_339 : f32 to vector<16xf32>
      %parallel_loop3A_341 = arith.mulf %parallel_loop3A_338, %parallel_loop3A_340 : vector<16xf32>
      %parallel_loop3A_342 = arith.constant 4.000000e+00 : f32
      %parallel_loop3A_343 = vector.broadcast %parallel_loop3A_342 : f32 to vector<16xf32>
      %parallel_loop3A_344 = arith.addf %parallel_loop3A_341, %parallel_loop3A_343 : vector<16xf32>
      %parallel_loop3A_345 = arith.constant 0.000000e+00 : f32
      %parallel_loop3A_346 = vector.broadcast %parallel_loop3A_345 : f32 to vector<16xf32>
      %parallel_loop3A_347 = arith.maximumf %parallel_loop3A_344, %parallel_loop3A_346 : vector<16xf32>
      %parallel_loop3A_348 = arith.constant 7.500000e+00 : f32
      %parallel_loop3A_349 = vector.broadcast %parallel_loop3A_348 : f32 to vector<16xf32>
      %parallel_loop3A_350 = arith.minimumf %parallel_loop3A_347, %parallel_loop3A_349 : vector<16xf32>
      %parallel_loop3A_351 = arith.fptosi %parallel_loop3A_350 : vector<16xf32> to vector<16xi32>
      %parallel_loop3A_352 = arith.constant 194 : i32
      %parallel_loop3A_353 = vector.broadcast %parallel_loop3A_352 : i32 to vector<16xi32>
      %parallel_loop3A_354 = arith.addi %mul3A_49, %parallel_loop3A_353 : vector<16xi32>
      %parallel_loop3A_355 = tpu.vector_load_idx %arg4[%parallel_loop3A_68, %parallel_loop3A_354] : memref<64x256xf32, #tpu.memory_space<vmem>>[vector<16xi32>, vector<16xi32>], vector<16xf32>,
      %parallel_loop3A_356 = arith.constant 3.500000e+00 : f32
      %parallel_loop3A_357 = vector.broadcast %parallel_loop3A_356 : f32 to vector<16xf32>
      %parallel_loop3A_358 = arith.mulf %parallel_loop3A_355, %parallel_loop3A_357 : vector<16xf32>
      %parallel_loop3A_359 = arith.constant 4.000000e+00 : f32
      %parallel_loop3A_360 = vector.broadcast %parallel_loop3A_359 : f32 to vector<16xf32>
      %parallel_loop3A_361 = arith.addf %parallel_loop3A_358, %parallel_loop3A_360 : vector<16xf32>
      %parallel_loop3A_362 = arith.constant 0.000000e+00 : f32
      %parallel_loop3A_363 = vector.broadcast %parallel_loop3A_362 : f32 to vector<16xf32>
      %parallel_loop3A_364 = arith.maximumf %parallel_loop3A_361, %parallel_loop3A_363 : vector<16xf32>
      %parallel_loop3A_365 = arith.constant 7.500000e+00 : f32
      %parallel_loop3A_366 = vector.broadcast %parallel_loop3A_365 : f32 to vector<16xf32>
      %parallel_loop3A_367 = arith.minimumf %parallel_loop3A_364, %parallel_loop3A_366 : vector<16xf32>
      %parallel_loop3A_368 = arith.fptosi %parallel_loop3A_367 : vector<16xf32> to vector<16xi32>
      %parallel_loop3A_369 = arith.constant 195 : i32
      %parallel_loop3A_370 = vector.broadcast %parallel_loop3A_369 : i32 to vector<16xi32>
      %parallel_loop3A_371 = arith.addi %mul3A_49, %parallel_loop3A_370 : vector<16xi32>
      %parallel_loop3A_372 = tpu.vector_load_idx %arg4[%parallel_loop3A_68, %parallel_loop3A_371] : memref<64x256xf32, #tpu.memory_space<vmem>>[vector<16xi32>, vector<16xi32>], vector<16xf32>,
      %parallel_loop3A_373 = arith.constant 3.500000e+00 : f32
      %parallel_loop3A_374 = vector.broadcast %parallel_loop3A_373 : f32 to vector<16xf32>
      %parallel_loop3A_375 = arith.mulf %parallel_loop3A_372, %parallel_loop3A_374 : vector<16xf32>
      %parallel_loop3A_376 = arith.constant 4.000000e+00 : f32
      %parallel_loop3A_377 = vector.broadcast %parallel_loop3A_376 : f32 to vector<16xf32>
      %parallel_loop3A_378 = arith.addf %parallel_loop3A_375, %parallel_loop3A_377 : vector<16xf32>
      %parallel_loop3A_379 = arith.constant 0.000000e+00 : f32
      %parallel_loop3A_380 = vector.broadcast %parallel_loop3A_379 : f32 to vector<16xf32>
      %parallel_loop3A_381 = arith.maximumf %parallel_loop3A_378, %parallel_loop3A_380 : vector<16xf32>
      %parallel_loop3A_382 = arith.constant 7.500000e+00 : f32
      %parallel_loop3A_383 = vector.broadcast %parallel_loop3A_382 : f32 to vector<16xf32>
      %parallel_loop3A_384 = arith.minimumf %parallel_loop3A_381, %parallel_loop3A_383 : vector<16xf32>
      %parallel_loop3A_385 = arith.fptosi %parallel_loop3A_384 : vector<16xf32> to vector<16xi32>
      %parallel_loop3A_386 = arith.constant 3 : i32
      %parallel_loop3A_387 = vector.broadcast %parallel_loop3A_386 : i32 to vector<16xi32>
      %parallel_loop3A_388 = arith.shli %parallel_loop3A_351, %parallel_loop3A_387 : vector<16xi32>
      %parallel_loop3A_389 = arith.ori %parallel_loop3A_334, %parallel_loop3A_388 : vector<16xi32>
      %parallel_loop3A_390 = arith.constant 6 : i32
      %parallel_loop3A_391 = vector.broadcast %parallel_loop3A_390 : i32 to vector<16xi32>
      %parallel_loop3A_392 = arith.shli %parallel_loop3A_368, %parallel_loop3A_391 : vector<16xi32>
      %parallel_loop3A_393 = arith.ori %parallel_loop3A_389, %parallel_loop3A_392 : vector<16xi32>
      %parallel_loop3A_394 = arith.constant 9 : i32
      %parallel_loop3A_395 = vector.broadcast %parallel_loop3A_394 : i32 to vector<16xi32>
      %parallel_loop3A_396 = arith.shli %parallel_loop3A_385, %parallel_loop3A_395 : vector<16xi32>
      %parallel_loop3A_397 = arith.ori %parallel_loop3A_393, %parallel_loop3A_396 : vector<16xi32>
      %parallel_loop3A_398 = arith.index_cast %parallel_loop3A_66 : i32 to index
      %parallel_loop3A_399 = arith.constant 48 : index
      %parallel_loop3A_400 = tpu.vector_load %arg6[%parallel_loop3A_398, %parallel_loop3A_399] {strides = array<i32>} : memref<64x64xi32, #tpu.memory_space<vmem>>, vector<16xi32>,
      tpu.vector_store %arg6[%parallel_loop3A_398, %parallel_loop3A_399], %parallel_loop3A_397 {strides = array<i32>} : memref<64x64xi32, #tpu.memory_space<vmem>>, vector<16xi32>,
    } {sc.loop_unroll_factor = 2 : i64, sc.parallel_access}
    %add3A_53 = arith.constant 0 : i32
    %add3A_54 = arith.addi %mul3A_2, %add3A_53 : i32
    %mul3A_55 = arith.constant 64 : i32
    %mul3A_56 = arith.muli %add3A_54, %mul3A_55 : i32
    %multiple_of3A_57 = tpu.assume_multiple %mul3A_56, 64 : i32
    %dma_start3A_58 = arith.constant 0 : i32
    %dma_start3A_59 = tpu.memref_slice %arg3[%multiple_of3A_57, %dma_start3A_58] : memref<2048x64xi32, #tpu.memory_space<hbm>> -> memref<64x64xi32, #tpu.memory_space<hbm>>
    %dma_start3A_60 = arith.constant 0 : i32
    %dma_start3A_61 = tpu.memref_slice %arg3[%multiple_of3A_57, %dma_start3A_60] : memref<2048x64xi32, #tpu.memory_space<hbm>> -> memref<64x64xi32, #tpu.memory_space<hbm>>
    tpu.enqueue_dma source(%arg6 : memref<64x64xi32, #tpu.memory_space<vmem>>) target(%dma_start3A_61 : memref<64x64xi32, #tpu.memory_space<hbm>>) target_semaphore(%arg10 : memref<!tpu.dma_semaphore, #tpu.memory_space<semaphore_mem>>)
    %dma_wait3A_62 = arith.constant 0 : i32
    %dma_wait3A_63 = tpu.memref_slice %arg3[%multiple_of3A_57, %dma_wait3A_62] : memref<2048x64xi32, #tpu.memory_space<hbm>> -> memref<64x64xi32, #tpu.memory_space<hbm>>
    %dma_wait3A_64 = arith.constant 0 : i32
    %dma_wait3A_65 = tpu.memref_slice %arg3[%multiple_of3A_57, %dma_wait3A_64] : memref<2048x64xi32, #tpu.memory_space<hbm>> -> memref<64x64xi32, #tpu.memory_space<hbm>>
    tpu.wait_dma2 semaphore(%arg10 : memref<!tpu.dma_semaphore, #tpu.memory_space<semaphore_mem>>) src(%arg6 : memref<64x64xi32, #tpu.memory_space<vmem>>) dst(%dma_wait3A_65 : memref<64x64xi32, #tpu.memory_space<hbm>>)
    return
  }
}

module attributes {stable_mosaic.version = 14 : i64} {
  func.func @_tc_body(%arg0: i32, %arg1: memref<4096x256xf32, #tpu.memory_space<vmem>>, %arg2: memref<256x64xbf16, #tpu.memory_space<vmem>>, %arg3: memref<4096x256xf32, #tpu.memory_space<vmem>>, %arg4: memref<4096x64xi32, #tpu.memory_space<vmem>>) attributes {dimension_semantics = [#tpu.dimension_semantics<arbitrary>], iteration_bounds = array<i64: 4>, scalar_prefetch = 0 : i64, scratch_operands = 0 : i64, tpu.core_type = #tpu.core_type<tc>, window_params = [{transform_indices = @transform_0, window_bounds = array<i64: 4096, 256>}, {pipeline_mode = #tpu.pipeline_mode<synchronous>, transform_indices = @transform_1, window_bounds = array<i64: 256, 64>}, {transform_indices = @transform_2, window_bounds = array<i64: 4096, 256>}, {transform_indices = @transform_3, window_bounds = array<i64: 4096, 64>}]} {
    %get3A = arith.constant 0 : index
    %get3A_0 = arith.constant 0 : index
    %get3A_1 = vector.load %arg1[%get3A, %get3A_0] : memref<4096x256xf32, #tpu.memory_space<vmem>>, vector<4096x256xf32>
    %mul3A = arith.constant 3.500000e+00 : f32
    %mul3A_2 = vector.broadcast %mul3A : f32 to vector<4096x256xf32>
    %mul3A_3 = arith.mulf %get3A_1, %mul3A_2 : vector<4096x256xf32>
    %add3A = arith.constant 4.000000e+00 : f32
    %add3A_4 = vector.broadcast %add3A : f32 to vector<4096x256xf32>
    %add3A_5 = arith.addf %mul3A_3, %add3A_4 : vector<4096x256xf32>
    %jit3A = arith.constant 0.000000e+00 : f32
    %jit3A_6 = arith.constant 7.500000e+00 : f32
    %max3A = vector.broadcast %jit3A : f32 to vector<4096x256xf32>
    %max3A_7 = arith.maximumf %max3A, %add3A_5 : vector<4096x256xf32>
    %min3A = vector.broadcast %jit3A_6 : f32 to vector<4096x256xf32>
    %min3A_8 = arith.minimumf %min3A, %max3A_7 : vector<4096x256xf32>
    %floor3A = math.floor %min3A_8 : vector<4096x256xf32>
    %mul3A_9 = arith.constant 0.285714298 : f32
    %mul3A_10 = vector.broadcast %mul3A_9 : f32 to vector<4096x256xf32>
    %mul3A_11 = arith.mulf %floor3A, %mul3A_10 : vector<4096x256xf32>
    %sub3A = arith.constant 1.000000e+00 : f32
    %sub3A_12 = vector.broadcast %sub3A : f32 to vector<4096x256xf32>
    %sub3A_13 = arith.subf %mul3A_11, %sub3A_12 : vector<4096x256xf32>
    %swap3A = arith.constant 0 : index
    %swap3A_14 = arith.constant 0 : index
    %swap3A_15 = vector.load %arg3[%swap3A, %swap3A_14] : memref<4096x256xf32, #tpu.memory_space<vmem>>, vector<4096x256xf32>
    tpu.vector_store %arg3[%swap3A, %swap3A_14], %sub3A_13 {strides = array<i32>} : memref<4096x256xf32, #tpu.memory_space<vmem>>, vector<4096x256xf32>,
    %lt3A = arith.constant 3 : i32
    %lt3A_16 = arith.cmpi slt, %arg0, %lt3A : i32
    %convert_element_type3A = arith.extui %lt3A_16 : i1 to i32
    %cond3A = arith.constant 0 : i32
    %cond3A_17 = arith.cmpi ne, %convert_element_type3A, %cond3A : i32
    scf.if %cond3A_17 {
      %convert_element_type3A_18 = arith.truncf %floor3A : vector<4096x256xf32> to vector<4096x256xbf16>
      %get3A_19 = arith.constant 0 : index
      %get3A_20 = arith.constant 0 : index
      %get3A_21 = vector.load %arg2[%get3A_19, %get3A_20] : memref<256x64xbf16, #tpu.memory_space<vmem>>, vector<256x64xbf16>
      %dot_general3A = arith.constant dense<0.000000e+00> : vector<4096x64xf32>
      %dot_general3A_22 = tpu.matmul %convert_element_type3A_18, %get3A_21, %dot_general3A {dimension_numbers = #tpu.dot_dimension_numbers<[1], [0], [0], [1], [0, 0, 1, 1], [], []>, transpose_lhs_hint = false} : vector<4096x256xbf16>, vector<256x64xbf16>, vector<4096x64xf32> -> vector<4096x64xf32>
      %convert_element_type3A_23 = arith.fptosi %dot_general3A_22 : vector<4096x64xf32> to vector<4096x64xi32>
      %swap3A_24 = arith.constant 0 : index
      %swap3A_25 = arith.constant 0 : index
      %swap3A_26 = vector.load %arg4[%swap3A_24, %swap3A_25] : memref<4096x64xi32, #tpu.memory_space<vmem>>, vector<4096x64xi32>
      tpu.vector_store %arg4[%swap3A_24, %swap3A_25], %convert_element_type3A_23 {strides = array<i32>} : memref<4096x64xi32, #tpu.memory_space<vmem>>, vector<4096x64xi32>,
    } else {
    }
    return
  }
  func.func @transform_0(%arg0: i32) -> (i32, i32) {
    %c0_i32 = arith.constant 0 : i32
    %c0_i32_0 = arith.constant 0 : i32
    return %arg0, %c0_i32 : i32, i32
  }
  func.func @transform_1(%arg0: i32) -> (i32, i32) {
    %c0_i32 = arith.constant 0 : i32
    %c0_i32_0 = arith.constant 0 : i32
    %c0_i32_1 = arith.constant 0 : i32
    return %c0_i32, %c0_i32_0 : i32, i32
  }
  func.func @transform_2(%arg0: i32) -> (i32, i32) {
    %c0_i32 = arith.constant 0 : i32
    %c0_i32_0 = arith.constant 0 : i32
    return %arg0, %c0_i32 : i32, i32
  }
  func.func @transform_3(%arg0: i32) -> (i32, i32) {
    %c0_i32 = arith.constant 0 : i32
    %c0_i32_0 = arith.constant 0 : i32
    return %arg0, %c0_i32 : i32, i32
  }
}

</mosaic_0001>

<sc_bundles>
// kernel: kernel.4.cloned.1.call-start
scs
__scs_entry_jumppad:
0x0: {  	(pc) =	sbr.rel $0x88, $3  }
0x1: {  	(tag) =	ssettag $0x0;
	lr =	simm.s32 $0x1  }
0x2: {  	[smem:$0x3FA0] =	sst lr;
	_ =	strace $0xD0000000  }
0x3: {  	_ = 	snop  }
0x4: {  	_ = 	snop  }
0x5: {  	_ = 	snop  }
0x6: {  	_ = 	snop  }
0x7: {  	_ = 	snop  }
__scs_overlays_trampoline_lowered:
0x8: {  	[smem:$0x3FAF] =	sst s0  }
0x9: {  	[smem:$0x3FB0] =	sst s1  }
0xa: {  	[smem:$0x3FB1] =	sst s2  }
0xb: {  	[smem:$0x3FB2] =	sst s3  }
0xc: {  	[smem:$0x3FB3] =	sst s4  }
0xd: {  	[smem:$0x3FB4] =	sst s5  }
0xe: {  	[smem:$0x3FB5] =	sst s6  }
0xf: {  	[smem:$0x3FB6] =	sst s7  }
0x10: {  	[smem:$0x3FB7] =	sst s8  }
0x11: {  	[smem:$0x3FB8] =	sst s9;
	s0 =	simm.s32 @!p0 $0x0  }
0x12: {  	s1 =	sld [smem:$0x3F9E];
	s0 =	simm.s32 @p0 $0x1  }
0x13: {  	[smem:$0x3FB9] =	sst s0;
	s0 =	simm.s32 @!p1 $0x0  }
0x14: {  	s2 =	sld [smem:$0x3F9D];
	s0 =	simm.s32 @p1 $0x1  }
0x15: {  	[smem:$0x3FBA] =	sst s0;
	s0 =	simm.s32 @!p2 $0x0  }
0x16: {  	s3 =	sld [smem:$0x3FDB];
	s0 =	simm.s32 @p2 $0x1  }
0x17: {  	s4 =	simm.s32 $0x1BF5;
	[smem:$0x3FBC] =	sst s0  }
0x18: {  	s0 =	sld [smem:$0x3F9F];
	_ =	swait.ge [sflag:s4], $0x0  }
0x19: {  	s7 =	sld [smem:$0x3FA0]  }
0x1a: {  	s8 =	sadd.s32 $0xFFFFE003, lr  }
0x1b: {  	s9 =	sadd.s32 $0xFFFFFEF7, lr;
	s5 =	simm.s32 $0xFFFFFFFF;
	p2 =	slt.u32 s8, $0xFFFFF086  }
0x1c: {  	p1 =	slt.u32 s9, $0xF7A;
	s5 =	simm.s32 @!p2 $0x0  }
0x1d: {  	s5 =	simm.s32 @p1 $0x1;
	p0 =	seq.s32 s7, s2  }
0x1e: {  	s7 =	smul.u32 @!p0 $0xF7A, s2;
	p2 =	seq.s32 @!p0 s5, $0x0  }
0x1f: {  	s9 =	smul.u32 $0xF7A, s1;
	s8 =	simm.s32 @!p0 $0x1BF5;
	p2 =	por !p2, p0  }
0x20: {  	[sflag:s8] =	ssyncset.s32 @!p0 $0xFFFFF086;
	s6 =	sadd.s32 @!p0 s3, s7;
	s7 =	simm.s32 @!p0 $0x108  }
0x21: {  	s3 =	sadd.s32 s3, s9;
	s6 =	sadd.s32 @!p0 $0x88, s6;
	s7 =	simm.s32 @p2 $0x1082  }
0x22: {  	[simem:s7], [sflag:s8] =	dma.local @!p0 [hbm:s6], $0xF7A  }
0x23: {  	s9 =	sor.u32 $0xD0000000, s2;
	s6 =	simm.s32 $0x108;
	_ =	swait.ge @!p0 [sflag:s8], $0x0  }
0x24: {  	s3 =	sadd.s32 $0x88, s3;
	s6 =	simm.s32 @!p1 $0x1082;
	[sflag:s4] =	ssyncset.s32 $0xFFFFF086  }
0x25: {  	[simem:s6], [sflag:s4] =	dma.local [hbm:s3], $0xF7A  }
0x26: {  	[smem:$0x3FA0] =	sst s1;
	(tag) =	ssettag s2;
	_ =	strace s9  }
0x27: {  	s1 =	sld [smem:$0x3FB0]  }
0x28: {  	s2 =	sld [smem:$0x3FB1]  }
0x29: {  	s4 =	sld [smem:$0x3FB3]  }
0x2a: {  	p0 =	seq.s32 s5, $0x0;
	s5 =	sld [smem:$0x3FB4]  }
0x2b: {  	s6 =	sld [smem:$0x3FB5]  }
0x2c: {  	s7 =	sld [smem:$0x3FB6]  }
0x2d: {  	s3 =	simm.s32 $0x108;
	s8 =	sld [smem:$0x3FB7]  }
0x2e: {  	s3 =	simm.s32 @!p0 $0x1082;
	s9 =	sld [smem:$0x3FB8]  }
0x2f: {  	lr =	sadd.s32 s0, s3;
	s0 =	sld [smem:$0x3FAF]  }
0x30: {  	s3 =	sld [smem:$0x3FB2]  }
0x31: {  	[smem:$0x3FBB] =	sst s10  }
0x32: {  	s10 =	sld [smem:$0x3FB9];
	_ =	sdelay $0x3  }
0x33: {  	p0 =	seq.s32 s10, $0x1;
	s10 =	sld [smem:$0x3FBB];
	_ =	sdelay $0x3  }
0x34: {  	[smem:$0x3FBB] =	sst s10  }
0x35: {  	s10 =	sld [smem:$0x3FBA];
	_ =	sdelay $0x3  }
0x36: {  	p1 =	seq.s32 s10, $0x1;
	s10 =	sld [smem:$0x3FBB];
	_ =	sdelay $0x3  }
0x37: {  	[smem:$0x3FBB] =	sst s10  }
0x38: {  	s10 =	sld [smem:$0x3FBC]  }
0x39: {  	_ = 	snop;
	(pc) =	sbr.ind lr, $3  }
0x3a: {  	_ = 	snop  }
0x3b: {  	_ = 	snop  }
0x3c: {  	p2 =	seq.s32 s10, $0x1;
	s10 =	sld [smem:$0x3FBB]  }
0x3d: {  	_ =	shalt  }
0x3e: {  	_ =	shalt  }
0x3f: {  	_ =	shalt  }
0x40: {  	_ =	shalt  }
0x41: {  	_ =	shalt  }
0x42: {  	_ =	shalt  }
0x43: {  	_ =	shalt  }
0x44: {  	_ =	shalt  }
0x45: {  	_ =	shalt  }
0x46: {  	_ =	shalt  }
0x47: {  	_ =	shalt  }
0x48: {  	_ =	shalt  }
0x49: {  	_ =	shalt  }
0x4a: {  	_ =	shalt  }
0x4b: {  	_ =	shalt  }
0x4c: {  	_ =	shalt  }
0x4d: {  	_ =	shalt  }
0x4e: {  	_ =	shalt  }
0x4f: {  	_ =	shalt  }
0x50: {  	_ =	shalt  }
0x51: {  	_ =	shalt  }
0x52: {  	_ =	shalt  }
0x53: {  	_ =	shalt  }
0x54: {  	_ =	shalt  }
0x55: {  	_ =	shalt  }
0x56: {  	_ =	shalt  }
0x57: {  	_ =	shalt  }
0x58: {  	_ =	shalt  }
0x59: {  	_ =	shalt  }
0x5a: {  	_ =	shalt  }
0x5b: {  	_ =	shalt  }
0x5c: {  	_ =	shalt  }
0x5d: {  	_ =	shalt  }
0x5e: {  	_ =	shalt  }
0x5f: {  	_ =	shalt  }
0x60: {  	_ =	shalt  }
0x61: {  	_ =	shalt  }
0x62: {  	_ =	shalt  }
0x63: {  	_ =	shalt  }
0x64: {  	_ =	shalt  }
0x65: {  	_ =	shalt  }
0x66: {  	_ =	shalt  }
0x67: {  	_ =	shalt  }
0x68: {  	_ =	shalt  }
0x69: {  	_ =	shalt  }
0x6a: {  	_ =	shalt  }
0x6b: {  	_ =	shalt  }
0x6c: {  	_ =	shalt  }
0x6d: {  	_ =	shalt  }
0x6e: {  	_ =	shalt  }
0x6f: {  	_ =	shalt  }
0x70: {  	_ =	shalt  }
0x71: {  	_ =	shalt  }
0x72: {  	_ =	shalt  }
0x73: {  	_ =	shalt  }
0x74: {  	_ =	shalt  }
0x75: {  	_ =	shalt  }
0x76: {  	_ =	shalt  }
0x77: {  	_ =	shalt  }
0x78: {  	_ =	shalt  }
0x79: {  	_ =	shalt  }
0x7a: {  	_ =	shalt  }
0x7b: {  	_ =	shalt  }
0x7c: {  	_ =	shalt  }
0x7d: {  	_ =	shalt  }
0x7e: {  	_ =	shalt  }
0x7f: {  	_ =	shalt  }
0x80: {  	_ =	shalt  }
0x81: {  	_ =	shalt  }
0x82: {  	_ =	shalt  }
0x83: {  	_ =	shalt  }
0x84: {  	_ =	shalt  }
0x85: {  	_ =	shalt  }
0x86: {  	_ =	shalt  }
0x87: {  	_ =	shalt  }
.Lfunc_end0:
.L_simem_size_0:
called_computation_lowered:
.L_overlay_start_0:
0x88: {  	s2 =	sld [smem:$0x3FD9]  }
0x89: {  	s3 =	sld [smem:$0x3FFE];
	_ =	sdelay $0x1  }
0x8a: {  	s1 =	srdreg.scid  }
0x8b: {  	s0 =	sand.u32 $0x1, s1  }
0x8c: {  	s15 =	sshll.u32 s0, $0xA;
	s2 =	sadd.s32 s3, s2  }
0x8d: {  	s2 =	sadd.s32 s2, s15  }
0x8e: {  	[smem:$0x3FC7] =	sst s2  }
0x8f: {  	_ = 	snop  }
0x90: {  	s2 =	sld [smem:$0x3FD0];
	_ =	sdelay $0x2  }
0x91: {  	s4 =	simm.s32 $0xA;
	s5 =	simm.s32 $0x10;
	s16 =	sld [smem:$0x3FC9]  }
0x92: {  	[smem:s5], [sflag:s4] =	dma.local [hbm:s2], $0x1  }
0x93: {  	_ =	swait.eq [sflag:s4], $0x1  }
0x94: {  	[sflag:s4] =	ssyncset.done $0x0  }
0x95: {  	[sflag:s4] =	ssyncadd.s32 $0xFFFFFFFF  }
0x96: {  	s17 =	sld [smem:$0x11];
	(tm) =	ssettm $0x1  }
0x97: {  	s18 =	sld [smem:$0x3FFB];
	_ =	sdelay $0x3  }
0x98: {  	_ =	strace s18  }
0x99: {  	s4 =	sld [smem:$0x3FFC];
	_ =	sdelay $0x3  }
0x9a: {  	_ =	strace s4  }
0x9b: {  	s4 =	sld [smem:$0x3FFD];
	_ =	sdelay $0x3  }
0x9c: {  	_ =	strace s4  }
0x9d: {  	_ =	strace $0x8FFFFFFF  }
0x9e: {  	s19 =	sld [smem:$0x3FDB];
	_ =	sdelay $0x1  }
0x9f: {  	s20 =	simm.s32 $_scs_section_size  }
0xa0: {  	s6 =	simm.s32 $_size__tile_overlayer_lowered;
	s7 =	simm.s32 $_tile_overlayer_lowered  }
0xa1: {  	s23 =	simm.s32 $0x1BFF;
	s22 =	sshll.u32 s7, $0x1;
	s4 =	sadd.s32 s20, s19  }
0xa2: {  	s8 =	simm.s32 $0x0;
	s21 =	sshll.u32 s6, $0x1;
	s6 =	sadd.s32 s22, s4  }
0xa3: {  	[timem:s8], [sflag:s23] =	dma.local [hbm:s6], s21  }
0xa4: {  	_ =	swait.ge [sflag:s23], s21  }
0xa5: {  	s5 =	ssub.s32 $0x0, s21;
	[sflag:s23] =	ssyncset.done $0x0  }
0xa6: {  	[sflag:s23] =	ssyncadd.s32 s5;
	_ =	sdelay $0x1  }
0xa7: {  	s24 =	simm.s32 $0x1B8B  }
0xa8: {  	_ =	swait.ge [sflag:s24], $0x1  }
0xa9: {  	[sflag:s24] =	ssyncset.done $0x0  }
0xaa: {  	s25 =	simm.s32 $0x1B8E;
	[sflag:s24] =	ssyncadd.s32 $0xFFFFFFFF  }
0xab: {  	s26 =	simm.s32 $execute0_lowered;
	[smem:$0x3FD2] =	sst s25  }
0xac: {  	s5 =	sshll.u32 s26, $0x1;
	_ =	strace $0x80000046;
	[dreg:$0x1] =	wrdreg $0xFFFFFFFF  }
0xad: {  	s28 =	simm.s32 $_size_execute0_lowered;
	s4 =	sadd.s32 s4, s5;
	[dreg:$0x0] =	wrdreg $0x0  }
0xae: {  	s5 =	sshll.u32 s28, $0x1;
	[dreg:$0x2] =	wrdreg s4  }
0xaf: {  	[dreg:$0x3] =	wrdreg s5  }
0xb0: {  	[dreg:$0x4] =	wrdreg $0xC0  }
0xb1: {  	_ =	task [dreg:s8], $0x5FFFF  }
0xb2: {  	[dreg:$0x1] =	wrdreg $0xFFFFFFFF  }
0xb3: {  	[dreg:$0x0] =	wrdreg $0x60  }
0xb4: {  	[dreg:$0x2] =	wrdreg s16  }
0xb5: {  	[dreg:$0x3] =	wrdreg s17  }
0xb6: {  	[dreg:$0x4] =	wrdreg $0x9  }
0xb7: {  	_ =	task.clear_ibuf [dreg:s8], $0x5FFFF;
	_ =	strace $0x90000046  }
0xb8: {  	s29 =	simm.s32 $0x9;
	_ =	strace $0x80000048  }
0xb9: {  	_ =	swait.ge [sflag:s29], $0x1  }
0xba: {  	[sflag:s29] =	ssyncadd.s32 $0xFFFFFFFF  }
0xbb: {  	_ =	strace $0x90000048  }
0xbc: {  	_ =	sfence  }
0xbd: {  	s30 =	sld [smem:$0x0];
	_ =	sdelay $0x2  }
0xbe: {  	s31 =	sshll.u32 s1, $0xD;
	s1 =	sshrl.u32 s1, $0x2  }
0xbf: {  	s3 =	sand.u32 $0x4000, s31;
	s1 =	sadd.s32 s1, s30  }
0xc0: {  	s0 =	sor.u32 s3, s0;
	s1 =	sshll.u32 s1, $0x11  }
0xc1: {  	s0 =	sor.u32 s1, s0  }
0xc2: {  	s0 =	sadd.s32 $0x8F2B, s0  }
0xc3: {  	[sflag:s0] =	ssyncadd.remote.s32 $0x1  }
0xc4: {  	_ =	sfence.sel $0xFFFF  }
0xc5: {  	[dreg:$0x0] =	wrdreg $0xFFFFFFFF;
	(pc) =	sbr.abs _section_cstart, $3  }
0xc6: {  	[dreg:$0x1] =	wrdreg $0xFFFFFFFF  }
0xc7: {  	_ =	task.clear_ibuf [dreg:s8], $0x2FFFF;
	_ =	strace $0x9FFFFFFF  }
0xc8: {  	(tm) =	ssettm $0x7FFFFFFF  }
0xc9: {  	_ =	shalt  }
tec
execute0_lowered:
.L_overlay_start_1:
0x0: {  	(tag) =	ssettag $0x1  }
0x1: {  	s1 =	srdreg.scid;
	s3 =	rddreg [dreg:$0x0]  }
0x2: {  	s0 =	stileid.u32;
	v0 =	vlaneseq.u32;
	s5 =	rddreg [dreg:$0x1]  }
0x3: {  	s2 =	simm.s32 $0x0;
	s9 =	simm.s32 $0x0;
	s4 =	sand.u32 $0x1, s1;
	v0 =	vmul.u32 $0x4, v0  }
0x4: {  	s6 =	sshll.u32 s0, $0x7;
	s1 =	rddreg [dreg:$0x2];
	s7 =	sshll.u32 s4, $0x6  }
0x5: {  	[smem:$0x7FF] =	sst s2;
	s4 =	ssub.s32 $0x2, s4;
	s6 =	sor.u32 s7, s6;
	v1 =	vor.u32 $0x1, v0;
	v2 =	vor.u32 $0x2, v0;
	v3 =	vor.u32 $0x3, v0  }
0x6: {  	_ =	strace $0x80000047;
	s8 =	sshrl.u32 s4, $0x1;
	v4 =	vor.u32 $0x40, v0;
	v5 =	vor.u32 $0x41, v0;
	v6 =	vor.u32 $0x42, v0;
	s7 =	sshll.u32 s6, $0x5  }
0x7: {  	v7 =	vor.u32 $0x43, v0;
	v8 =	vor.u32 $0x400, v0;
	v9 =	vor.u32 $0x401, v0;
	s30 =	ssub.s32 s4, s8;
	s31 =	sshll.u32 s6, $0x4;
	s6 =	simm.s32 $0x1  }
0x8: {  	v10 =	vor.u32 $0x402, v0;
	v11 =	vor.u32 $0x403, v0;
	v12 =	vor.u32 $0x440, v0;
	s8 =	simm.s32 $0x2;
	s3 =	sadd.s32 s7, s3;
	s4 =	sadd.s32 s5, s31  }
0x9: {  	v13 =	vor.u32 $0x441, v0;
	v14 =	vor.u32 $0x442, v0;
	v15 =	vor.u32 $0x443, v0;
	s5 =	smax.u32 s30, $0x1;
	s7 =	simm.s32 $0x4000;
	s3 =	sadd.s32 $0x70000, s3  }
.LBB2_1:
0xa: {  	v16 =	vmov s2  }
0xb: {  	v17 =	vshll.u32 v16, $0x8;
	v16 =	vshll.u32 v16, $0x7  }
0xc: {  	v17 =	vand.u32 $0x3800, v17;
	v16 =	vand.u32 $0x300, v16  }
0xd: {  	s10 =	simm.s32 $0x1;
	v18 =	vor.u32 v16, v17  }
0xe: {  	v19 =	vmov s10;
	v16 =	vor.u32 v3, v18  }
0xf: {  	[tilespmem:s2], [sflag:$0x1] =	stream.linear.gather [hbm4b:s3+s2], $0x4000, $0x38;
	v22 =	vshll.u32 v19, $0x8;
	v19 =	vshll.u32 v19, $0x7;
	v17 =	vor.u32 v0, v18;
	[tilespmem:$0x6000] =	vst v63  }
0x10: {  	_ =	swait.ge [sflag:s6], $0x4000;
	v22 =	vand.u32 $0x3800, v22;
	v19 =	vand.u32 $0x380, v19;
	v20 =	vor.u32 v2, v18  }
0x11: {  	[sflag:s6] =	ssyncset.done $0x0;
	v21 =	vor.u32 v1, v18;
	v19 =	vor.u32 v19, v22  }
0x12: {  	[sflag:s6] =	ssyncadd.s32 $0xFFFFC000;
	v22 =	vor.u32 v3, v19  }
0x13: {  	v23 =	vor.u32 v0, v19;
	v16 =	vld.idx.msk [tilespmem:v16+s2+$0x0], $0xffff  }
0x14: {  	v25 =	vor.u32 v1, v19;
	v17 =	vld.idx.msk [tilespmem:v17+s2+$0x0], $0xffff  }
0x15: {  	v24 =	vor.u32 v2, v19;
	v20 =	vld.idx.msk [tilespmem:v20+s2+$0x0], $0xffff  }
0x16: {  	v21 =	vld.idx.msk [tilespmem:v21+s2+$0x0], $0xffff  }
0x17: {  	v22 =	vld.idx.msk [tilespmem:v22+s2+$0x0], $0xffff  }
0x18: {  	v23 =	vld.idx.msk [tilespmem:v23+s2+$0x0], $0xffff  }
0x19: {  	v25 =	vld.idx.msk [tilespmem:v25+s2+$0x0], $0xffff  }
0x1a: {  	v24 =	vld.idx.msk [tilespmem:v24+s2+$0x0], $0xffff  }
0x1b: {  	v16 =	vmul.f32 $3.500000000e+00, v16;
	v17 =	vmul.f32 $3.500000000e+00, v17  }
0x1c: {  	v20 =	vmul.f32 $3.500000000e+00, v20;
	v21 =	vmul.f32 $3.500000000e+00, v21  }
0x1d: {  	v23 =	vmul.f32 $3.500000000e+00, v23;
	v22 =	vmul.f32 $3.500000000e+00, v22  }
0x1e: {  	v25 =	vmul.f32 $3.500000000e+00, v25;
	v16 =	vadd.f32 $4.000000000e+00, v16;
	v17 =	vadd.f32 $4.000000000e+00, v17  }
0x1f: {  	v24 =	vmul.f32 $3.500000000e+00, v24;
	v20 =	vadd.f32 $4.000000000e+00, v20;
	v21 =	vadd.f32 $4.000000000e+00, v21  }
0x20: {  	v23 =	vadd.f32 $4.000000000e+00, v23;
	v22 =	vadd.f32 $4.000000000e+00, v22  }
0x21: {  	v26 =	vor.u32 v7, v19;
	v25 =	vadd.f32 $4.000000000e+00, v25;
	v24 =	vadd.f32 $4.000000000e+00, v24  }
0x22: {  	v17 =	vmax.f32 v17, $0.0e+00;
	v20 =	vmax.f32 v20, $0.0e+00;
	v21 =	vmax.f32 v21, $0.0e+00  }
0x23: {  	v17 =	vmin.f32 v17, $7.500000000e+00;
	v20 =	vmin.f32 v20, $7.500000000e+00;
	v21 =	vmin.f32 v21, $7.500000000e+00  }
0x24: {  	v23 =	vmax.f32 v23, $0.0e+00;
	v22 =	vmax.f32 v22, $0.0e+00;
	v25 =	vmax.f32 v25, $0.0e+00  }
0x25: {  	v24 =	vmax.f32 v24, $0.0e+00;
	v17 =	vtrunc.f32 v17;
	v20 =	vtrunc.f32 v20  }
0x26: {  	v21 =	vtrunc.f32 v21;
	v22 =	vmin.f32 v22, $7.500000000e+00;
	v23 =	vmin.f32 v23, $7.500000000e+00  }
0x27: {  	v25 =	vmin.f32 v25, $7.500000000e+00;
	v21 =	vcvt.f32.s32 v21;
	v22 =	vtrunc.f32 v22  }
0x28: {  	v24 =	vmin.f32 v24, $7.500000000e+00;
	v23 =	vtrunc.f32 v23;
	v25 =	vtrunc.f32 v25  }
0x29: {  	v16 =	vmax.f32 v16, $0.0e+00;
	v24 =	vtrunc.f32 v24;
	v25 =	vcvt.f32.s32 v25  }
0x2a: {  	v16 =	vmin.f32 v16, $7.500000000e+00;
	v23 =	vcvt.f32.s32 v23;
	v24 =	vcvt.f32.s32 v24  }
0x2b: {  	v20 =	vcvt.f32.s32 v20;
	v22 =	vcvt.f32.s32 v22;
	v25 =	vshll.u32 v25, $0x3  }
0x2c: {  	v24 =	vshll.u32 v24, $0x6;
	v23 =	vor.u32 v23, v25;
	v25 =	vor.u32 v4, v19  }
0x2d: {  	v22 =	vshll.u32 v22, $0x9;
	v23 =	vor.u32 v24, v23;
	v24 =	vor.u32 v6, v19  }
0x2e: {  	s10 =	simm.s32 $0x4080;
	v17 =	vcvt.f32.s32 v17;
	v22 =	vor.u32 v22, v23;
	v23 =	vor.u32 v5, v19  }
0x2f: {  	v27 =	vor.u32 v5, v18;
	v16 =	vtrunc.f32 v16;
	v21 =	vshll.u32 v21, $0x3;
	[tilespmem:s10+$0x0] =	vst v22  }
0x30: {  	v16 =	vcvt.f32.s32 v16;
	v20 =	vshll.u32 v20, $0x6;
	v17 =	vor.u32 v17, v21;
	v21 =	vld.idx.msk [tilespmem:v26+s2+$0x0], $0xffff  }
0x31: {  	v17 =	vor.u32 v20, v17;
	v26 =	vor.u32 v6, v18;
	v20 =	vld.idx.msk [tilespmem:v25+s2+$0x0], $0xffff  }
0x32: {  	v16 =	vshll.u32 v16, $0x9;
	v24 =	vld.idx.msk [tilespmem:v24+s2+$0x0], $0xffff  }
0x33: {  	s11 =	simm.s32 $0x2;
	v31 =	vor.u32 v11, v18;
	v16 =	vor.u32 v16, v17;
	v23 =	vld.idx.msk [tilespmem:v23+s2+$0x0], $0xffff  }
0x34: {  	v33 =	vor.u32 v14, v18;
	v30 =	vor.u32 v11, v19;
	[tilespmem:s10+$0xFFFFFF80] =	vst v16;
	v16 =	vmov s11  }
0x35: {  	v34 =	vor.u32 v15, v19;
	v17 =	vshll.u32 v16, $0x8;
	v16 =	vshll.u32 v16, $0x7;
	v25 =	vld.idx.msk [tilespmem:v27+s2+$0x0], $0xffff  }
0x36: {  	v22 =	vor.u32 v4, v18;
	v17 =	vand.u32 $0x3800, v17;
	v16 =	vand.u32 $0x300, v16;
	v26 =	vld.idx.msk [tilespmem:v26+s2+$0x0], $0xffff  }
0x37: {  	v27 =	vor.u32 v7, v18;
	v21 =	vmul.f32 $3.500000000e+00, v21;
	v20 =	vmul.f32 $3.500000000e+00, v20  }
0x38: {  	v16 =	vor.u32 v16, v17;
	v24 =	vmul.f32 $3.500000000e+00, v24;
	v23 =	vmul.f32 $3.500000000e+00, v23  }
0x39: {  	v17 =	vor.u32 v15, v18;
	v21 =	vadd.f32 $4.000000000e+00, v21;
	v20 =	vadd.f32 $4.000000000e+00, v20  }
0x3a: {  	v25 =	vmul.f32 $3.500000000e+00, v25;
	v24 =	vadd.f32 $4.000000000e+00, v24;
	v23 =	vadd.f32 $4.000000000e+00, v23  }
0x3b: {  	v21 =	vmax.f32 v21, $0.0e+00;
	v26 =	vmul.f32 $3.500000000e+00, v26;
	v20 =	vmax.f32 v20, $0.0e+00  }
0x3c: {  	v22 =	vld.idx.msk [tilespmem:v22+s2+$0x0], $0xffff;
	v21 =	vmin.f32 v21, $7.500000000e+00;
	v24 =	vmax.f32 v24, $0.0e+00;
	v23 =	vmax.f32 v23, $0.0e+00  }
0x3d: {  	v20 =	vmin.f32 v20, $7.500000000e+00;
	v21 =	vtrunc.f32 v21;
	v23 =	vmin.f32 v23, $7.500000000e+00  }
0x3e: {  	v20 =	vtrunc.f32 v20;
	v24 =	vmin.f32 v24, $7.500000000e+00;
	v23 =	vtrunc.f32 v23  }
0x3f: {  	v28 =	vor.u32 v3, v16;
	v24 =	vtrunc.f32 v24;
	v23 =	vcvt.f32.s32 v23  }
0x40: {  	v27 =	vld.idx.msk [tilespmem:v27+s2+$0x0], $0xffff;
	v25 =	vadd.f32 $4.000000000e+00, v25;
	v20 =	vcvt.f32.s32 v20;
	v24 =	vcvt.f32.s32 v24  }
0x41: {  	v22 =	vmul.f32 $3.500000000e+00, v22;
	v21 =	vcvt.f32.s32 v21;
	v23 =	vshll.u32 v23, $0x3  }
0x42: {  	v26 =	vadd.f32 $4.000000000e+00, v26;
	v20 =	vor.u32 v20, v23;
	v23 =	vshll.u32 v24, $0x6  }
0x43: {  	v21 =	vshll.u32 v21, $0x9;
	v24 =	vor.u32 v8, v19;
	v20 =	vor.u32 v23, v20  }
0x44: {  	v22 =	vadd.f32 $4.000000000e+00, v22;
	v20 =	vor.u32 v21, v20;
	v21 =	vor.u32 v9, v19  }
0x45: {  	v27 =	vmul.f32 $3.500000000e+00, v27;
	v26 =	vmax.f32 v26, $0.0e+00;
	v23 =	vor.u32 v10, v19  }
0x46: {  	v25 =	vmax.f32 v25, $0.0e+00;
	v22 =	vmax.f32 v22, $0.0e+00;
	v26 =	vmin.f32 v26, $7.500000000e+00  }
0x47: {  	v28 =	vld.idx.msk [tilespmem:v28+s2+$0x0], $0xffff;
	[tilespmem:s10+$0x10] =	vst v20;
	v20 =	vmin.f32 v22, $7.500000000e+00;
	v22 =	vmin.f32 v25, $7.500000000e+00;
	v25 =	vadd.f32 $4.000000000e+00, v27  }
0x48: {  	v29 =	vor.u32 v0, v16;
	v26 =	vtrunc.f32 v26;
	v22 =	vtrunc.f32 v22;
	v24 =	vld.idx.msk [tilespmem:v24+s2+$0x0], $0xffff  }
0x49: {  	v20 =	vtrunc.f32 v20;
	v22 =	vcvt.f32.s32 v22;
	v25 =	vmax.f32 v25, $0.0e+00;
	v21 =	vld.idx.msk [tilespmem:v21+s2+$0x0], $0xffff  }
0x4a: {  	v26 =	vcvt.f32.s32 v26;
	v20 =	vcvt.f32.s32 v20;
	v23 =	vld.idx.msk [tilespmem:v23+s2+$0x0], $0xffff;
	v25 =	vmin.f32 v25, $7.500000000e+00  }
0x4b: {  	v32 =	vor.u32 v1, v16;
	v27 =	vld.idx.msk [tilespmem:v30+s2+$0x0], $0xffff;
	v25 =	vtrunc.f32 v25;
	v22 =	vshll.u32 v22, $0x3  }
0x4c: {  	v26 =	vshll.u32 v26, $0x6;
	v25 =	vcvt.f32.s32 v25;
	v20 =	vor.u32 v20, v22  }
0x4d: {  	v28 =	vmul.f32 $3.500000000e+00, v28;
	v22 =	vor.u32 v9, v18;
	v20 =	vor.u32 v26, v20  }
0x4e: {  	v25 =	vshll.u32 v25, $0x9;
	v24 =	vmul.f32 $3.500000000e+00, v24;
	v21 =	vmul.f32 $3.500000000e+00, v21  }
0x4f: {  	v26 =	vor.u32 v10, v18;
	v20 =	vor.u32 v25, v20;
	v23 =	vmul.f32 $3.500000000e+00, v23  }
0x50: {  	v25 =	vmul.f32 $3.500000000e+00, v27;
	v24 =	vadd.f32 $4.000000000e+00, v24;
	v21 =	vadd.f32 $4.000000000e+00, v21  }
0x51: {  	v30 =	vor.u32 v8, v18;
	v27 =	vor.u32 v2, v16;
	v23 =	vadd.f32 $4.000000000e+00, v23  }
0x52: {  	[tilespmem:s10+$0xFFFFFF90] =	vst v20;
	v25 =	vadd.f32 $4.000000000e+00, v25;
	v24 =	vmax.f32 v24, $0.0e+00;
	v20 =	vmax.f32 v21, $0.0e+00  }
0x53: {  	v29 =	vld.idx.msk [tilespmem:v29+s2+$0x0], $0xffff;
	v24 =	vmin.f32 v24, $7.500000000e+00;
	v21 =	vmax.f32 v23, $0.0e+00;
	v20 =	vmin.f32 v20, $7.500000000e+00  }
0x54: {  	v22 =	vld.idx.msk [tilespmem:v22+s2+$0x0], $0xffff;
	v24 =	vtrunc.f32 v24;
	v21 =	vmin.f32 v21, $7.500000000e+00;
	v20 =	vtrunc.f32 v20  }
0x55: {  	v26 =	vld.idx.msk [tilespmem:v26+s2+$0x0], $0xffff;
	v25 =	vmax.f32 v25, $0.0e+00;
	v21 =	vtrunc.f32 v21;
	v20 =	vcvt.f32.s32 v20  }
0x56: {  	v23 =	vmin.f32 v25, $7.500000000e+00;
	v25 =	vld.idx.msk [tilespmem:v30+s2+$0x0], $0xffff;
	v24 =	vcvt.f32.s32 v24;
	v21 =	vcvt.f32.s32 v21  }
0x57: {  	v31 =	vld.idx.msk [tilespmem:v31+s2+$0x0], $0xffff;
	v30 =	vor.u32 v12, v18;
	v23 =	vtrunc.f32 v23;
	v20 =	vshll.u32 v20, $0x3  }
0x58: {  	v27 =	vld.idx.msk [tilespmem:v27+s2+$0x0], $0xffff;
	v23 =	vcvt.f32.s32 v23;
	v21 =	vshll.u32 v21, $0x6;
	v20 =	vor.u32 v24, v20  }
0x59: {  	v22 =	vmul.f32 $3.500000000e+00, v22;
	v24 =	vor.u32 v12, v19;
	v20 =	vor.u32 v21, v20  }
0x5a: {  	v32 =	vld.idx.msk [tilespmem:v32+s2+$0x0], $0xffff;
	v21 =	vshll.u32 v23, $0x9;
	v23 =	vor.u32 v14, v19;
	v19 =	vor.u32 v13, v19  }
0x5b: {  	v20 =	vor.u32 v21, v20;
	v21 =	vmul.f32 $3.500000000e+00, v25;
	v25 =	vmul.f32 $3.500000000e+00, v26  }
0x5c: {  	v26 =	vor.u32 v13, v18;
	v18 =	vadd.f32 $4.000000000e+00, v22;
	v22 =	vmul.f32 $3.500000000e+00, v31  }
0x5d: {  	v29 =	vmul.f32 $3.500000000e+00, v29;
	[tilespmem:s10+$0x20] =	vst v20;
	v20 =	vmul.f32 $3.500000000e+00, v27;
	v21 =	vadd.f32 $4.000000000e+00, v21  }
0x5e: {  	v27 =	vld.idx.msk [tilespmem:v34+s2+$0x0], $0xffff;
	v25 =	vadd.f32 $4.000000000e+00, v25;
	v18 =	vmax.f32 v18, $0.0e+00;
	v22 =	vadd.f32 $4.000000000e+00, v22  }
0x5f: {  	v31 =	vmul.f32 $3.500000000e+00, v32;
	v24 =	vld.idx.msk [tilespmem:v24+s2+$0x0], $0xffff;
	v18 =	vmin.f32 v18, $7.500000000e+00;
	v21 =	vmax.f32 v21, $0.0e+00  }
0x60: {  	v23 =	vld.idx.msk [tilespmem:v23+s2+$0x0], $0xffff;
	v25 =	vmax.f32 v25, $0.0e+00;
	v18 =	vtrunc.f32 v18;
	v22 =	vmax.f32 v22, $0.0e+00  }
0x61: {  	v19 =	vld.idx.msk [tilespmem:v19+s2+$0x0], $0xffff;
	v21 =	vmin.f32 v21, $7.500000000e+00;
	v25 =	vmin.f32 v25, $7.500000000e+00;
	v18 =	vcvt.f32.s32 v18  }
0x62: {  	v22 =	vmin.f32 v22, $7.500000000e+00;
	v21 =	vtrunc.f32 v21;
	v25 =	vtrunc.f32 v25  }
0x63: {  	v22 =	vtrunc.f32 v22;
	v21 =	vcvt.f32.s32 v21  }
0x64: {  	v25 =	vcvt.f32.s32 v25;
	v18 =	vshll.u32 v18, $0x3;
	v22 =	vcvt.f32.s32 v22  }
0x65: {  	v18 =	vor.u32 v21, v18;
	v21 =	vmul.f32 $3.500000000e+00, v24;
	v24 =	vmul.f32 $3.500000000e+00, v27  }
0x66: {  	v28 =	vadd.f32 $4.000000000e+00, v28;
	v19 =	vmul.f32 $3.500000000e+00, v19;
	v23 =	vmul.f32 $3.500000000e+00, v23  }
0x67: {  	v25 =	vshll.u32 v25, $0x6;
	v21 =	vadd.f32 $4.000000000e+00, v21;
	v24 =	vadd.f32 $4.000000000e+00, v24  }
0x68: {  	v25 =	vor.u32 v25, v18;
	v18 =	vadd.f32 $4.000000000e+00, v19;
	v19 =	vadd.f32 $4.000000000e+00, v23  }
0x69: {  	v20 =	vadd.f32 $4.000000000e+00, v20;
	v22 =	vshll.u32 v22, $0x9;
	v21 =	vmax.f32 v21, $0.0e+00  }
0x6a: {  	v23 =	vmax.f32 v24, $0.0e+00;
	v18 =	vmax.f32 v18, $0.0e+00;
	v19 =	vmax.f32 v19, $0.0e+00  }
0x6b: {  	v23 =	vmin.f32 v23, $7.500000000e+00;
	v21 =	vmin.f32 v21, $7.500000000e+00;
	v18 =	vmin.f32 v18, $7.500000000e+00  }
0x6c: {  	s31 =	simm.s32 $0x3;
	v19 =	vmin.f32 v19, $7.500000000e+00;
	v23 =	vtrunc.f32 v23;
	v21 =	vtrunc.f32 v21  }
0x6d: {  	v24 =	vmov s31;
	v18 =	vtrunc.f32 v18;
	v19 =	vtrunc.f32 v19  }
0x6e: {  	v27 =	vshll.u32 v24, $0x8;
	v18 =	vcvt.f32.s32 v18;
	v19 =	vcvt.f32.s32 v19  }
0x6f: {  	v24 =	vshll.u32 v24, $0x7;
	v21 =	vcvt.f32.s32 v21;
	v23 =	vcvt.f32.s32 v23  }
0x70: {  	v27 =	vand.u32 $0x3800, v27;
	v18 =	vshll.u32 v18, $0x3;
	v19 =	vshll.u32 v19, $0x6  }
0x71: {  	v23 =	vshll.u32 v23, $0x9;
	v18 =	vor.u32 v21, v18;
	v21 =	vand.u32 $0x380, v24  }
0x72: {  	v19 =	vor.u32 v19, v18;
	v18 =	vor.u32 v21, v27;
	v21 =	vor.u32 v22, v25  }
0x73: {  	v25 =	vmax.f32 v28, $0.0e+00;
	v63 =	vor.u32 v23, v19;
	v22 =	vor.u32 v3, v18  }
0x74: {  	v19 =	vadd.f32 $4.000000000e+00, v29;
	v23 =	vadd.f32 $4.000000000e+00, v31;
	v27 =	vor.u32 v0, v18;
	[tilespmem:s10+$0xFFFFFFA0] =	vst v21  }
0x75: {  	v20 =	vmax.f32 v20, $0.0e+00;
	v28 =	vor.u32 v2, v18;
	v21 =	vmin.f32 v25, $7.500000000e+00;
	v24 =	vld.idx.msk [tilespmem:v26+s2+$0x0], $0xffff  }
0x76: {  	v26 =	vor.u32 v1, v18;
	v19 =	vmax.f32 v19, $0.0e+00;
	v31 =	vmax.f32 v23, $0.0e+00;
	v23 =	vld.idx.msk [tilespmem:v30+s2+$0x0], $0xffff  }
0x77: {  	v20 =	vmin.f32 v20, $7.500000000e+00;
	v30 =	vtrunc.f32 v21;
	v21 =	vld.idx.msk [tilespmem:v33+s2+$0x0], $0xffff;
	v19 =	vmin.f32 v19, $7.500000000e+00  }
0x78: {  	v20 =	vtrunc.f32 v20;
	v29 =	vtrunc.f32 v19;
	v19 =	vmin.f32 v31, $7.500000000e+00;
	v25 =	vld.idx.msk [tilespmem:v22+s2+$0x0], $0xffff  }
0x79: {  	v31 =	vtrunc.f32 v19;
	v22 =	vcvt.f32.s32 v30;
	v19 =	vor.u32 v4, v16;
	v27 =	vld.idx.msk [tilespmem:v27+s2+$0x0], $0xffff  }
0x7a: {  	s12 =	simm.s32 $0x4;
	s11 =	simm.s32 $0x4080;
	[tilespmem:s10+$0x30] =	vst v63;
	v30 =	vcvt.f32.s32 v20;
	v20 =	vor.u32 v6, v16;
	v28 =	vld.idx.msk [tilespmem:v28+s2+$0x0], $0xffff;
	v31 =	vcvt.f32.s32 v31  }
.LBB2_2:
0x7b: {  	p0 =	slt.u32 s12, $0x3E;
	v29 =	vcvt.f32.s32 v29;
	v32 =	vor.u32 v5, v16;
	v26 =	vld.idx.msk [tilespmem:v26+s2+$0x0], $0xffff;
	v24 =	vmul.f32 $3.500000000e+00, v24  }
0x7c: {  	v23 =	vmul.f32 $3.500000000e+00, v23;
	v31 =	vshll.u32 v31, $0x3;
	v30 =	vshll.u32 v30, $0x6;
	v17 =	vld.idx.msk [tilespmem:v17+s2+$0x0], $0xffff  }
0x7d: {  	v21 =	vmul.f32 $3.500000000e+00, v21;
	v29 =	vor.u32 v29, v31;
	v24 =	vadd.f32 $4.000000000e+00, v24  }
0x7e: {  	v22 =	vshll.u32 v22, $0x9;
	v23 =	vadd.f32 $4.000000000e+00, v23;
	v29 =	vor.u32 v30, v29  }
0x7f: {  	v21 =	vadd.f32 $4.000000000e+00, v21;
	v22 =	vor.u32 v22, v29;
	v24 =	vmax.f32 v24, $0.0e+00  }
0x80: {  	v25 =	vmul.f32 $3.500000000e+00, v25;
	v27 =	vmul.f32 $3.500000000e+00, v27;
	v24 =	vmin.f32 v24, $7.500000000e+00  }
0x81: {  	v28 =	vmul.f32 $3.500000000e+00, v28;
	v23 =	vmax.f32 v23, $0.0e+00;
	v26 =	vmul.f32 $3.500000000e+00, v26  }
0x82: {  	v25 =	vadd.f32 $4.000000000e+00, v25;
	v27 =	vadd.f32 $4.000000000e+00, v27;
	v17 =	vmul.f32 $3.500000000e+00, v17  }
0x83: {  	v21 =	vmax.f32 v21, $0.0e+00;
	v28 =	vadd.f32 $4.000000000e+00, v28;
	v26 =	vadd.f32 $4.000000000e+00, v26  }
0x84: {  	v25 =	vmax.f32 v25, $0.0e+00;
	v27 =	vmax.f32 v27, $0.0e+00;
	v17 =	vadd.f32 $4.000000000e+00, v17  }
0x85: {  	v25 =	vmin.f32 v25, $7.500000000e+00;
	v28 =	vmax.f32 v28, $0.0e+00;
	v26 =	vmax.f32 v26, $0.0e+00  }
0x86: {  	v27 =	vmin.f32 v27, $7.500000000e+00;
	v25 =	vtrunc.f32 v25;
	v26 =	vmin.f32 v26, $7.500000000e+00  }
0x87: {  	v27 =	vtrunc.f32 v27;
	v28 =	vmin.f32 v28, $7.500000000e+00;
	v26 =	vtrunc.f32 v26  }
0x88: {  	v23 =	vmin.f32 v23, $7.500000000e+00;
	v28 =	vtrunc.f32 v28;
	v26 =	vcvt.f32.s32 v26  }
0x89: {  	v21 =	vmin.f32 v21, $7.500000000e+00;
	v27 =	vcvt.f32.s32 v27;
	v28 =	vcvt.f32.s32 v28  }
0x8a: {  	v29 =	vor.u32 v7, v18;
	v25 =	vcvt.f32.s32 v25;
	v26 =	vshll.u32 v26, $0x3  }
0x8b: {  	v26 =	vor.u32 v27, v26;
	v27 =	vshll.u32 v28, $0x6;
	v28 =	vor.u32 v4, v18  }
0x8c: {  	v25 =	vshll.u32 v25, $0x9;
	v26 =	vor.u32 v27, v26;
	v27 =	vor.u32 v6, v18  }
0x8d: {  	s10 =	sadd.s32 $0x100, s10;
	v24 =	vtrunc.f32 v24;
	v25 =	vor.u32 v25, v26;
	v26 =	vor.u32 v5, v18  }
0x8e: {  	v23 =	vtrunc.f32 v23;
	v24 =	vcvt.f32.s32 v24;
	v17 =	vmax.f32 v17, $0.0e+00;
	[tilespmem:s10+$0x0] =	vst v25  }
0x8f: {  	v23 =	vcvt.f32.s32 v23;
	v21 =	vtrunc.f32 v21;
	v17 =	vmin.f32 v17, $7.500000000e+00;
	[tilespmem:s10+$0xFFFFFF80] =	vst v22;
	v22 =	vld.idx.msk [tilespmem:v29+s2+$0x0], $0xffff  }
0x90: {  	v21 =	vcvt.f32.s32 v21;
	v24 =	vshll.u32 v24, $0x3;
	v17 =	vtrunc.f32 v17;
	v25 =	vld.idx.msk [tilespmem:v28+s2+$0x0], $0xffff  }
0x91: {  	v23 =	vor.u32 v23, v24;
	v17 =	vcvt.f32.s32 v17;
	v28 =	vor.u32 v7, v16;
	v27 =	vld.idx.msk [tilespmem:v27+s2+$0x0], $0xffff  }
0x92: {  	v21 =	vshll.u32 v21, $0x6;
	v24 =	vld.idx.msk [tilespmem:v26+s2+$0x0], $0xffff  }
0x93: {  	v21 =	vor.u32 v21, v23;
	v17 =	vshll.u32 v17, $0x9;
	v26 =	vmov s12;
	v29 =	vld.idx.msk [tilespmem:v32+s2+$0x0], $0xffff  }
0x94: {  	v17 =	vor.u32 v17, v21;
	v23 =	vshll.u32 v26, $0x8;
	v26 =	vshll.u32 v26, $0x7;
	v30 =	vld.idx.msk [tilespmem:v19+s2+$0x0], $0xffff  }
0x95: {  	v19 =	vand.u32 $0x3800, v23;
	v21 =	vand.u32 $0x300, v26;
	v20 =	vld.idx.msk [tilespmem:v20+s2+$0x0], $0xffff;
	[tilespmem:s11+$0xFFFFFFB0] =	vst v17;
	s11 =	smov.u32 s10  }
0x96: {  	v19 =	vor.u32 v21, v19;
	v17 =	vor.u32 v15, v16;
	v21 =	vld.idx.msk [tilespmem:v28+s2+$0x0], $0xffff  }
0x97: {  	v22 =	vmul.f32 $3.500000000e+00, v22;
	v25 =	vmul.f32 $3.500000000e+00, v25;
	v23 =	vor.u32 v3, v19  }
0x98: {  	v26 =	vor.u32 v0, v19;
	v27 =	vmul.f32 $3.500000000e+00, v27;
	v24 =	vmul.f32 $3.500000000e+00, v24  }
0x99: {  	v22 =	vadd.f32 $4.000000000e+00, v22;
	v25 =	vadd.f32 $4.000000000e+00, v25;
	v28 =	vmul.f32 $3.500000000e+00, v29  }
0x9a: {  	v27 =	vadd.f32 $4.000000000e+00, v27;
	v29 =	vmul.f32 $3.500000000e+00, v30;
	v24 =	vadd.f32 $4.000000000e+00, v24  }
0x9b: {  	v22 =	vmax.f32 v22, $0.0e+00;
	v25 =	vmax.f32 v25, $0.0e+00;
	v20 =	vmul.f32 $3.500000000e+00, v20  }
0x9c: {  	v22 =	vmin.f32 v22, $7.500000000e+00;
	v27 =	vmax.f32 v27, $0.0e+00;
	v24 =	vmax.f32 v24, $0.0e+00  }
0x9d: {  	v25 =	vmin.f32 v25, $7.500000000e+00;
	v22 =	vtrunc.f32 v22;
	v24 =	vmin.f32 v24, $7.500000000e+00  }
0x9e: {  	v25 =	vtrunc.f32 v25;
	v27 =	vmin.f32 v27, $7.500000000e+00;
	v24 =	vtrunc.f32 v24  }
0x9f: {  	v28 =	vadd.f32 $4.000000000e+00, v28;
	v27 =	vtrunc.f32 v27;
	v24 =	vcvt.f32.s32 v24  }
0xa0: {  	v29 =	vadd.f32 $4.000000000e+00, v29;
	v25 =	vcvt.f32.s32 v25;
	v27 =	vcvt.f32.s32 v27  }
0xa1: {  	v30 =	vor.u32 v11, v18;
	v22 =	vcvt.f32.s32 v22;
	v24 =	vshll.u32 v24, $0x3  }
0xa2: {  	v24 =	vor.u32 v25, v24;
	v25 =	vshll.u32 v27, $0x6;
	v27 =	vor.u32 v8, v18  }
0xa3: {  	v22 =	vshll.u32 v22, $0x9;
	v24 =	vor.u32 v25, v24;
	v25 =	vor.u32 v10, v18  }
0xa4: {  	v21 =	vmul.f32 $3.500000000e+00, v21;
	v22 =	vor.u32 v22, v24;
	v24 =	vor.u32 v9, v18  }
0xa5: {  	v28 =	vmax.f32 v28, $0.0e+00;
	v20 =	vadd.f32 $4.000000000e+00, v20;
	v29 =	vmax.f32 v29, $0.0e+00;
	[tilespmem:s10+$0x10] =	vst v22  }
0xa6: {  	v28 =	vmin.f32 v28, $7.500000000e+00;
	v21 =	vadd.f32 $4.000000000e+00, v21;
	v22 =	vmin.f32 v29, $7.500000000e+00;
	v29 =	vld.idx.msk [tilespmem:v30+s2+$0x0], $0xffff  }
0xa7: {  	v28 =	vtrunc.f32 v28;
	v20 =	vmax.f32 v20, $0.0e+00;
	v22 =	vtrunc.f32 v22;
	v27 =	vld.idx.msk [tilespmem:v27+s2+$0x0], $0xffff  }
0xa8: {  	v28 =	vcvt.f32.s32 v28;
	v20 =	vmin.f32 v20, $7.500000000e+00;
	v21 =	vmax.f32 v21, $0.0e+00;
	v25 =	vld.idx.msk [tilespmem:v25+s2+$0x0], $0xffff  }
0xa9: {  	v20 =	vtrunc.f32 v20;
	v21 =	vmin.f32 v21, $7.500000000e+00;
	v22 =	vcvt.f32.s32 v22;
	v24 =	vld.idx.msk [tilespmem:v24+s2+$0x0], $0xffff  }
0xaa: {  	v20 =	vcvt.f32.s32 v20;
	v21 =	vtrunc.f32 v21;
	v28 =	vshll.u32 v28, $0x3  }
0xab: {  	v21 =	vcvt.f32.s32 v21;
	v22 =	vor.u32 v22, v28;
	v28 =	vor.u32 v9, v16;
	v23 =	vld.idx.msk [tilespmem:v23+s2+$0x0], $0xffff  }
0xac: {  	v31 =	vor.u32 v11, v16;
	v20 =	vshll.u32 v20, $0x6;
	v30 =	vor.u32 v8, v16;
	v26 =	vld.idx.msk [tilespmem:v26+s2+$0x0], $0xffff  }
0xad: {  	v21 =	vshll.u32 v21, $0x9;
	v20 =	vor.u32 v20, v22;
	v22 =	vor.u32 v10, v16  }
0xae: {  	v20 =	vor.u32 v21, v20;
	v21 =	vmul.f32 $3.500000000e+00, v27;
	v27 =	vmul.f32 $3.500000000e+00, v29  }
0xaf: {  	v29 =	vor.u32 v2, v19;
	[tilespmem:s10+$0xFFFFFF90] =	vst v20;
	v20 =	vmul.f32 $3.500000000e+00, v24;
	v24 =	vmul.f32 $3.500000000e+00, v25  }
0xb0: {  	v21 =	vadd.f32 $4.000000000e+00, v21;
	v27 =	vadd.f32 $4.000000000e+00, v27;
	v25 =	vor.u32 v1, v19;
	v28 =	vld.idx.msk [tilespmem:v28+s2+$0x0], $0xffff  }
0xb1: {  	v23 =	vmul.f32 $3.500000000e+00, v23;
	v30 =	vld.idx.msk [tilespmem:v30+s2+$0x0], $0xffff;
	v32 =	vadd.f32 $4.000000000e+00, v20;
	v24 =	vadd.f32 $4.000000000e+00, v24  }
0xb2: {  	v21 =	vmax.f32 v21, $0.0e+00;
	v20 =	vmul.f32 $3.500000000e+00, v26;
	v26 =	vld.idx.msk [tilespmem:v22+s2+$0x0], $0xffff;
	v22 =	vmax.f32 v27, $0.0e+00  }
0xb3: {  	v27 =	vld.idx.msk [tilespmem:v31+s2+$0x0], $0xffff;
	v31 =	vmax.f32 v32, $0.0e+00;
	v24 =	vmax.f32 v24, $0.0e+00;
	v22 =	vmin.f32 v22, $7.500000000e+00  }
0xb4: {  	v21 =	vmin.f32 v21, $7.500000000e+00;
	v31 =	vmin.f32 v31, $7.500000000e+00;
	v32 =	vtrunc.f32 v22  }
0xb5: {  	v33 =	vtrunc.f32 v21;
	v24 =	vmin.f32 v24, $7.500000000e+00;
	v22 =	vtrunc.f32 v31  }
0xb6: {  	v21 =	vor.u32 v12, v16;
	v24 =	vtrunc.f32 v24;
	v31 =	vcvt.f32.s32 v22  }
0xb7: {  	v33 =	vcvt.f32.s32 v33;
	v22 =	vor.u32 v14, v16;
	v24 =	vcvt.f32.s32 v24;
	v29 =	vld.idx.msk [tilespmem:v29+s2+$0x0], $0xffff  }
0xb8: {  	v34 =	vor.u32 v15, v18;
	v32 =	vcvt.f32.s32 v32;
	v25 =	vld.idx.msk [tilespmem:v25+s2+$0x0], $0xffff;
	v31 =	vshll.u32 v31, $0x3  }
0xb9: {  	v24 =	vshll.u32 v24, $0x6;
	v31 =	vor.u32 v33, v31;
	v33 =	vor.u32 v12, v18  }
0xba: {  	v24 =	vor.u32 v24, v31;
	v31 =	vshll.u32 v32, $0x9;
	v32 =	vor.u32 v14, v18  }
0xbb: {  	v28 =	vmul.f32 $3.500000000e+00, v28;
	v18 =	vor.u32 v13, v18;
	v24 =	vor.u32 v31, v24  }
0xbc: {  	v30 =	vmul.f32 $3.500000000e+00, v30;
	v26 =	vmul.f32 $3.500000000e+00, v26;
	v31 =	vor.u32 v13, v16;
	v16 =	vmovc v19;
	[tilespmem:s10+$0x20] =	vst v24  }
0xbd: {  	v27 =	vmul.f32 $3.500000000e+00, v27;
	v19 =	vmul.f32 $3.500000000e+00, v29;
	v24 =	vadd.f32 $4.000000000e+00, v28;
	v28 =	vld.idx.msk [tilespmem:v34+s2+$0x0], $0xffff  }
0xbe: {  	v26 =	vadd.f32 $4.000000000e+00, v26;
	v29 =	vadd.f32 $4.000000000e+00, v30;
	v25 =	vmul.f32 $3.500000000e+00, v25;
	v30 =	vld.idx.msk [tilespmem:v33+s2+$0x0], $0xffff  }
0xbf: {  	v23 =	vadd.f32 $4.000000000e+00, v23;
	v27 =	vadd.f32 $4.000000000e+00, v27;
	v24 =	vmax.f32 v24, $0.0e+00;
	v32 =	vld.idx.msk [tilespmem:v32+s2+$0x0], $0xffff  }
0xc0: {  	v26 =	vmax.f32 v26, $0.0e+00;
	v29 =	vmax.f32 v29, $0.0e+00;
	v24 =	vmin.f32 v24, $7.500000000e+00;
	v18 =	vld.idx.msk [tilespmem:v18+s2+$0x0], $0xffff  }
0xc1: {  	v26 =	vmin.f32 v26, $7.500000000e+00;
	v29 =	vmin.f32 v29, $7.500000000e+00;
	v24 =	vtrunc.f32 v24  }
0xc2: {  	v27 =	vmax.f32 v27, $0.0e+00;
	v29 =	vtrunc.f32 v29;
	v24 =	vcvt.f32.s32 v24  }
0xc3: {  	v26 =	vtrunc.f32 v26;
	v27 =	vmin.f32 v27, $7.500000000e+00;
	v29 =	vcvt.f32.s32 v29  }
0xc4: {  	v26 =	vcvt.f32.s32 v26;
	v27 =	vtrunc.f32 v27;
	v24 =	vshll.u32 v24, $0x3  }
0xc5: {  	v28 =	vmul.f32 $3.500000000e+00, v28;
	v24 =	vor.u32 v29, v24;
	v29 =	vmul.f32 $3.500000000e+00, v30  }
0xc6: {  	v26 =	vshll.u32 v26, $0x6;
	v30 =	vmul.f32 $3.500000000e+00, v32;
	v18 =	vmul.f32 $3.500000000e+00, v18  }
0xc7: {  	v27 =	vcvt.f32.s32 v27;
	v28 =	vadd.f32 $4.000000000e+00, v28;
	v29 =	vadd.f32 $4.000000000e+00, v29  }
0xc8: {  	v24 =	vor.u32 v26, v24;
	v26 =	vadd.f32 $4.000000000e+00, v30;
	v18 =	vadd.f32 $4.000000000e+00, v18  }
0xc9: {  	v27 =	vshll.u32 v27, $0x9;
	v28 =	vmax.f32 v28, $0.0e+00;
	v29 =	vmax.f32 v29, $0.0e+00  }
0xca: {  	v28 =	vmin.f32 v28, $7.500000000e+00;
	v26 =	vmax.f32 v26, $0.0e+00;
	v18 =	vmax.f32 v18, $0.0e+00  }
0xcb: {  	v28 =	vtrunc.f32 v28;
	v29 =	vmin.f32 v29, $7.500000000e+00;
	v18 =	vmin.f32 v18, $7.500000000e+00  }
0xcc: {  	s13 =	sadd.s32 $0x1, s12;
	v26 =	vmin.f32 v26, $7.500000000e+00;
	v29 =	vtrunc.f32 v29;
	v18 =	vtrunc.f32 v18  }
0xcd: {  	v30 =	vmov s13;
	v26 =	vtrunc.f32 v26;
	v18 =	vcvt.f32.s32 v18  }
0xce: {  	v32 =	vshll.u32 v30, $0x8;
	v29 =	vcvt.f32.s32 v29;
	v26 =	vcvt.f32.s32 v26  }
0xcf: {  	v30 =	vshll.u32 v30, $0x7;
	v28 =	vcvt.f32.s32 v28;
	v18 =	vshll.u32 v18, $0x3  }
0xd0: {  	v32 =	vand.u32 $0x3800, v32;
	v26 =	vshll.u32 v26, $0x6;
	v18 =	vor.u32 v29, v18  }
0xd1: {  	v28 =	vshll.u32 v28, $0x9;
	v29 =	vand.u32 $0x380, v30;
	v26 =	vor.u32 v26, v18  }
0xd2: {  	v24 =	vor.u32 v27, v24;
	v18 =	vor.u32 v29, v32;
	v26 =	vor.u32 v28, v26  }
0xd3: {  	v20 =	vadd.f32 $4.000000000e+00, v20;
	v19 =	vadd.f32 $4.000000000e+00, v19;
	v27 =	vor.u32 v3, v18;
	[tilespmem:s10+$0x30] =	vst v26  }
0xd4: {  	v23 =	vmax.f32 v23, $0.0e+00;
	v25 =	vadd.f32 $4.000000000e+00, v25;
	v28 =	vor.u32 v0, v18;
	[tilespmem:s10+$0xFFFFFFA0] =	vst v24  }
0xd5: {  	v20 =	vmax.f32 v20, $0.0e+00;
	v19 =	vmax.f32 v19, $0.0e+00;
	v32 =	vor.u32 v2, v18;
	v24 =	vld.idx.msk [tilespmem:v31+s2+$0x0], $0xffff  }
.Ltmp0:
0xd6: {  	v25 =	vmax.f32 v25, $0.0e+00;
	v29 =	vmin.f32 v23, $7.500000000e+00;
	v26 =	vor.u32 v1, v18;
	v23 =	vld.idx.msk [tilespmem:v21+s2+$0x0], $0xffff;
	(pc) =	sbr.rel @p0 .LBB2_2-.Ltmp0, $4  }
0xd7: {  	v20 =	vmin.f32 v20, $7.500000000e+00;
	v19 =	vmin.f32 v19, $7.500000000e+00;
	v30 =	vtrunc.f32 v29;
	v21 =	vld.idx.msk [tilespmem:v22+s2+$0x0], $0xffff  }
0xd8: {  	v33 =	vtrunc.f32 v19;
	v29 =	vtrunc.f32 v20;
	v20 =	vmin.f32 v25, $7.500000000e+00;
	v25 =	vld.idx.msk [tilespmem:v27+s2+$0x0], $0xffff  }
0xd9: {  	v19 =	vor.u32 v4, v16;
	v20 =	vtrunc.f32 v20;
	v22 =	vcvt.f32.s32 v30;
	v27 =	vld.idx.msk [tilespmem:v28+s2+$0x0], $0xffff  }
0xda: {  	s12 =	sadd.s32 $0x2, s12;
	v31 =	vcvt.f32.s32 v20;
	v20 =	vor.u32 v6, v16;
	v30 =	vcvt.f32.s32 v33;
	v28 =	vld.idx.msk [tilespmem:v32+s2+$0x0], $0xffff  }
0xdb: {  	_ =	sdelay $0x3  }
0xdc: {  	v26 =	vld.idx.msk [tilespmem:v26+s2+$0x0], $0xffff;
	_ =	sdelay $0x3  }
0xdd: {  	v25 =	vmul.f32 $3.500000000e+00, v25;
	v27 =	vmul.f32 $3.500000000e+00, v27  }
0xde: {  	v28 =	vmul.f32 $3.500000000e+00, v28;
	v26 =	vmul.f32 $3.500000000e+00, v26  }
0xdf: {  	v29 =	vcvt.f32.s32 v29;
	v25 =	vadd.f32 $4.000000000e+00, v25;
	v27 =	vadd.f32 $4.000000000e+00, v27  }
0xe0: {  	v24 =	vmul.f32 $3.500000000e+00, v24;
	v28 =	vadd.f32 $4.000000000e+00, v28;
	v26 =	vadd.f32 $4.000000000e+00, v26  }
0xe1: {  	v23 =	vmul.f32 $3.500000000e+00, v23;
	v25 =	vmax.f32 v25, $0.0e+00;
	v27 =	vmax.f32 v27, $0.0e+00  }
0xe2: {  	v25 =	vmin.f32 v25, $7.500000000e+00;
	v28 =	vmax.f32 v28, $0.0e+00;
	v26 =	vmax.f32 v26, $0.0e+00  }
0xe3: {  	v27 =	vmin.f32 v27, $7.500000000e+00;
	v25 =	vtrunc.f32 v25;
	v26 =	vmin.f32 v26, $7.500000000e+00  }
0xe4: {  	v27 =	vtrunc.f32 v27;
	v28 =	vmin.f32 v28, $7.500000000e+00;
	v26 =	vtrunc.f32 v26  }
0xe5: {  	v32 =	vor.u32 v5, v16;
	v28 =	vtrunc.f32 v28;
	v26 =	vcvt.f32.s32 v26  }
0xe6: {  	v61 =	vor.u32 v7, v18;
	v27 =	vcvt.f32.s32 v27;
	v28 =	vcvt.f32.s32 v28  }
0xe7: {  	v63 =	vor.u32 v4, v18;
	v25 =	vcvt.f32.s32 v25;
	v26 =	vshll.u32 v26, $0x3  }
0xe8: {  	v33 =	vor.u32 v6, v18;
	v62 =	vshll.u32 v28, $0x6;
	v26 =	vor.u32 v27, v26  }
0xe9: {  	v34 =	vor.u32 v5, v18;
	v25 =	vshll.u32 v25, $0x9;
	v26 =	vor.u32 v62, v26  }
0xea: {  	v17 =	vld.idx.msk [tilespmem:v17+s2+$0x0], $0xffff;
	s10 =	sadd.s32 $0x100, s10;
	v22 =	vshll.u32 v22, $0x9;
	v37 =	vor.u32 v7, v16;
	v25 =	vor.u32 v25, v26  }
0xeb: {  	v38 =	vor.u32 v11, v18;
	v31 =	vshll.u32 v31, $0x3;
	v30 =	vshll.u32 v30, $0x6;
	[tilespmem:s10+$0x0] =	vst v25  }
0xec: {  	v21 =	vmul.f32 $3.500000000e+00, v21;
	v29 =	vor.u32 v29, v31;
	v24 =	vadd.f32 $4.000000000e+00, v24;
	v25 =	vld.idx.msk [tilespmem:v61+s2+$0x0], $0xffff  }
0xed: {  	v39 =	vor.u32 v8, v18;
	v23 =	vadd.f32 $4.000000000e+00, v23;
	v29 =	vor.u32 v30, v29;
	v28 =	vld.idx.msk [tilespmem:v63+s2+$0x0], $0xffff  }
0xee: {  	v21 =	vadd.f32 $4.000000000e+00, v21;
	v24 =	vmax.f32 v24, $0.0e+00;
	v22 =	vor.u32 v22, v29;
	v27 =	vld.idx.msk [tilespmem:v33+s2+$0x0], $0xffff  }
0xef: {  	v23 =	vmax.f32 v23, $0.0e+00;
	v17 =	vmul.f32 $3.500000000e+00, v17;
	v24 =	vmin.f32 v24, $7.500000000e+00;
	[tilespmem:s10+$0xFFFFFF80] =	vst v22;
	v35 =	vld.idx.msk [tilespmem:v34+s2+$0x0], $0xffff  }
0xf0: {  	v21 =	vmax.f32 v21, $0.0e+00;
	v23 =	vmin.f32 v23, $7.500000000e+00;
	v24 =	vtrunc.f32 v24;
	v19 =	vld.idx.msk [tilespmem:v19+s2+$0x0], $0xffff  }
0xf1: {  	v21 =	vmin.f32 v21, $7.500000000e+00;
	v23 =	vtrunc.f32 v23;
	v20 =	vld.idx.msk [tilespmem:v20+s2+$0x0], $0xffff;
	v24 =	vcvt.f32.s32 v24  }
0xf2: {  	v40 =	vor.u32 v10, v18;
	v29 =	vld.idx.msk [tilespmem:v37+s2+$0x0], $0xffff;
	v23 =	vcvt.f32.s32 v23;
	v21 =	vtrunc.f32 v21  }
0xf3: {  	v41 =	vor.u32 v9, v18;
	v28 =	vmul.f32 $3.500000000e+00, v28;
	v25 =	vmul.f32 $3.500000000e+00, v25  }
0xf4: {  	v45 =	vor.u32 v9, v16;
	v22 =	vmul.f32 $3.500000000e+00, v35;
	v27 =	vmul.f32 $3.500000000e+00, v27  }
0xf5: {  	v19 =	vmul.f32 $3.500000000e+00, v19;
	v28 =	vadd.f32 $4.000000000e+00, v28;
	v25 =	vadd.f32 $4.000000000e+00, v25  }
0xf6: {  	v20 =	vmul.f32 $3.500000000e+00, v20;
	v22 =	vadd.f32 $4.000000000e+00, v22;
	v27 =	vadd.f32 $4.000000000e+00, v27  }
0xf7: {  	v29 =	vmul.f32 $3.500000000e+00, v29;
	v28 =	vmax.f32 v28, $0.0e+00;
	v25 =	vmax.f32 v25, $0.0e+00  }
0xf8: {  	v22 =	vmax.f32 v22, $0.0e+00;
	v27 =	vmax.f32 v27, $0.0e+00;
	v25 =	vmin.f32 v25, $7.500000000e+00  }
0xf9: {  	v36 =	vld.idx.msk [tilespmem:v32+s2+$0x0], $0xffff;
	v28 =	vmin.f32 v28, $7.500000000e+00;
	v22 =	vmin.f32 v22, $7.500000000e+00;
	v25 =	vtrunc.f32 v25  }
0xfa: {  	v27 =	vmin.f32 v27, $7.500000000e+00;
	v28 =	vtrunc.f32 v28;
	v22 =	vtrunc.f32 v22  }
0xfb: {  	v46 =	vor.u32 v8, v16;
	v27 =	vtrunc.f32 v27;
	v22 =	vcvt.f32.s32 v22  }
0xfc: {  	v47 =	vor.u32 v11, v16;
	v28 =	vcvt.f32.s32 v28;
	v27 =	vcvt.f32.s32 v27  }
0xfd: {  	v19 =	vadd.f32 $4.000000000e+00, v19;
	v25 =	vcvt.f32.s32 v25;
	v22 =	vshll.u32 v22, $0x3  }
0xfe: {  	v26 =	vmul.f32 $3.500000000e+00, v36;
	v27 =	vshll.u32 v27, $0x6;
	v22 =	vor.u32 v28, v22  }
0xff: {  	v20 =	vadd.f32 $4.000000000e+00, v20;
	v25 =	vshll.u32 v25, $0x9;
	v22 =	vor.u32 v27, v22  }
0x100: {  	v21 =	vcvt.f32.s32 v21;
	v26 =	vadd.f32 $4.000000000e+00, v26;
	v22 =	vor.u32 v25, v22  }
0x101: {  	v43 =	vadd.f32 $4.000000000e+00, v29;
	v19 =	vmax.f32 v19, $0.0e+00;
	v20 =	vmax.f32 v20, $0.0e+00;
	[tilespmem:s10+$0x10] =	vst v22  }
0x102: {  	v19 =	vmin.f32 v19, $7.500000000e+00;
	v20 =	vmin.f32 v20, $7.500000000e+00;
	v26 =	vmax.f32 v26, $0.0e+00;
	v44 =	vld.idx.msk [tilespmem:v38+s2+$0x0], $0xffff  }
0x103: {  	v20 =	vtrunc.f32 v20;
	v42 =	vmin.f32 v26, $7.500000000e+00;
	v26 =	vmax.f32 v43, $0.0e+00;
	v28 =	vld.idx.msk [tilespmem:v39+s2+$0x0], $0xffff  }
0x104: {  	v19 =	vtrunc.f32 v19;
	v20 =	vcvt.f32.s32 v20;
	v26 =	vmin.f32 v26, $7.500000000e+00;
	v27 =	vld.idx.msk [tilespmem:v40+s2+$0x0], $0xffff  }
0x105: {  	v17 =	vadd.f32 $4.000000000e+00, v17;
	v26 =	vtrunc.f32 v26;
	v22 =	vtrunc.f32 v42;
	v25 =	vld.idx.msk [tilespmem:v41+s2+$0x0], $0xffff  }
0x106: {  	v52 =	vor.u32 v10, v16;
	v26 =	vcvt.f32.s32 v26;
	v22 =	vcvt.f32.s32 v22  }
0x107: {  	v17 =	vmax.f32 v17, $0.0e+00;
	v24 =	vshll.u32 v24, $0x3;
	v19 =	vcvt.f32.s32 v19  }
0x108: {  	v20 =	vshll.u32 v20, $0x6;
	v26 =	vshll.u32 v26, $0x9;
	v22 =	vshll.u32 v22, $0x3  }
0x109: {  	v19 =	vor.u32 v19, v22;
	v28 =	vmul.f32 $3.500000000e+00, v28;
	v29 =	vmul.f32 $3.500000000e+00, v44  }
0x10a: {  	v19 =	vor.u32 v20, v19;
	v48 =	vmul.f32 $3.500000000e+00, v25;
	v49 =	vmul.f32 $3.500000000e+00, v27  }
0x10b: {  	v19 =	vor.u32 v26, v19;
	v50 =	vadd.f32 $4.000000000e+00, v28;
	v51 =	vadd.f32 $4.000000000e+00, v29  }
0x10c: {  	v17 =	vmin.f32 v17, $7.500000000e+00;
	[tilespmem:s10+$0xFFFFFF90] =	vst v19;
	v20 =	vadd.f32 $4.000000000e+00, v48;
	v25 =	vadd.f32 $4.000000000e+00, v49  }
0x10d: {  	v23 =	vor.u32 v23, v24;
	v22 =	vld.idx.msk [tilespmem:v45+s2+$0x0], $0xffff;
	v53 =	vmax.f32 v50, $0.0e+00;
	v54 =	vmax.f32 v51, $0.0e+00  }
0x10e: {  	v58 =	vld.idx.msk [tilespmem:v46+s2+$0x0], $0xffff;
	v55 =	vmax.f32 v20, $0.0e+00;
	v56 =	vmax.f32 v25, $0.0e+00;
	v57 =	vmin.f32 v54, $7.500000000e+00  }
0x10f: {  	v59 =	vld.idx.msk [tilespmem:v52+s2+$0x0], $0xffff;
	v26 =	vmin.f32 v53, $7.500000000e+00;
	v19 =	vmin.f32 v55, $7.500000000e+00;
	v25 =	vtrunc.f32 v57  }
0x110: {  	v60 =	vld.idx.msk [tilespmem:v47+s2+$0x0], $0xffff;
	v20 =	vmin.f32 v56, $7.500000000e+00;
	v26 =	vtrunc.f32 v26;
	v19 =	vtrunc.f32 v19  }
0x111: {  	v62 =	vor.u32 v12, v18;
	v20 =	vtrunc.f32 v20;
	v19 =	vcvt.f32.s32 v19  }
0x112: {  	v36 =	vor.u32 v13, v18;
	v26 =	vcvt.f32.s32 v26;
	v20 =	vcvt.f32.s32 v20  }
0x113: {  	v61 =	vor.u32 v15, v18;
	v25 =	vcvt.f32.s32 v25;
	v63 =	vmul.f32 $3.500000000e+00, v22  }
0x114: {  	v35 =	vor.u32 v14, v18;
	v33 =	vmul.f32 $3.500000000e+00, v58;
	v34 =	vmul.f32 $3.500000000e+00, v59  }
0x115: {  	v24 =	vmul.f32 $3.500000000e+00, v60;
	v19 =	vshll.u32 v19, $0x3;
	v20 =	vshll.u32 v20, $0x6  }
0x116: {  	v32 =	vshll.u32 v25, $0x9;
	v27 =	vadd.f32 $4.000000000e+00, v34;
	v19 =	vor.u32 v26, v19  }
0x117: {  	v25 =	vadd.f32 $4.000000000e+00, v33;
	v37 =	vadd.f32 $4.000000000e+00, v24;
	v19 =	vor.u32 v20, v19  }
0x118: {  	v20 =	vadd.f32 $4.000000000e+00, v63;
	v39 =	vmax.f32 v27, $0.0e+00;
	v19 =	vor.u32 v32, v19  }
0x119: {  	v38 =	vmax.f32 v25, $0.0e+00;
	v22 =	vmax.f32 v37, $0.0e+00;
	v24 =	vmin.f32 v39, $7.500000000e+00;
	[tilespmem:s10+$0x20] =	vst v19  }
0x11a: {  	v22 =	vmin.f32 v22, $7.500000000e+00;
	v20 =	vmax.f32 v20, $0.0e+00;
	v19 =	vmin.f32 v38, $7.500000000e+00;
	v40 =	vld.idx.msk [tilespmem:v61+s2+$0x0], $0xffff  }
0x11b: {  	v24 =	vtrunc.f32 v24;
	v22 =	vtrunc.f32 v22;
	v20 =	vmin.f32 v20, $7.500000000e+00;
	v26 =	vld.idx.msk [tilespmem:v62+s2+$0x0], $0xffff  }
0x11c: {  	v21 =	vshll.u32 v21, $0x6;
	v19 =	vtrunc.f32 v19;
	v18 =	vld.idx.msk [tilespmem:v36+s2+$0x0], $0xffff;
	v20 =	vtrunc.f32 v20  }
0x11d: {  	v43 =	vor.u32 v14, v16;
	v28 =	vld.idx.msk [tilespmem:v35+s2+$0x0], $0xffff;
	v24 =	vcvt.f32.s32 v24;
	v20 =	vcvt.f32.s32 v20  }
0x11e: {  	v42 =	vor.u32 v13, v16;
	v22 =	vcvt.f32.s32 v22;
	v19 =	vcvt.f32.s32 v19  }
0x11f: {  	v41 =	vor.u32 v12, v16;
	v16 =	vor.u32 v15, v16;
	v20 =	vshll.u32 v20, $0x3  }
0x120: {  	v44 =	vshll.u32 v24, $0x6;
	v46 =	vshll.u32 v22, $0x9;
	v19 =	vor.u32 v19, v20  }
0x121: {  	v45 =	vmul.f32 $3.500000000e+00, v40;
	v47 =	vmul.f32 $3.500000000e+00, v26;
	v19 =	vor.u32 v44, v19  }
0x122: {  	v18 =	vmul.f32 $3.500000000e+00, v18;
	v48 =	vmul.f32 $3.500000000e+00, v28;
	v19 =	vor.u32 v46, v19  }
0x123: {  	v17 =	vtrunc.f32 v17;
	v24 =	vadd.f32 $4.000000000e+00, v45;
	v50 =	vadd.f32 $4.000000000e+00, v47;
	[tilespmem:s10+$0xFFFFFFA0] =	vst v19  }
0x124: {  	v17 =	vcvt.f32.s32 v17;
	v18 =	vadd.f32 $4.000000000e+00, v18;
	v20 =	vadd.f32 $4.000000000e+00, v48;
	v51 =	vld.idx.msk [tilespmem:v42+s2+$0x0], $0xffff  }
0x125: {  	v49 =	vor.u32 v21, v23;
	v52 =	vmax.f32 v24, $0.0e+00;
	v53 =	vld.idx.msk [tilespmem:v41+s2+$0x0], $0xffff;
	v21 =	vmax.f32 v50, $0.0e+00  }
0x126: {  	v18 =	vmax.f32 v18, $0.0e+00;
	v54 =	vld.idx.msk [tilespmem:v43+s2+$0x0], $0xffff;
	v20 =	vmax.f32 v20, $0.0e+00;
	v23 =	vmin.f32 v52, $7.500000000e+00  }
0x127: {  	v16 =	vld.idx.msk [tilespmem:v16+s2+$0x0], $0xffff;
	v21 =	vmin.f32 v21, $7.500000000e+00;
	v18 =	vmin.f32 v18, $7.500000000e+00;
	v23 =	vtrunc.f32 v23  }
0x128: {  	v20 =	vmin.f32 v20, $7.500000000e+00;
	v21 =	vtrunc.f32 v21;
	v18 =	vtrunc.f32 v18  }
0x129: {  	v55 =	vtrunc.f32 v20;
	v18 =	vcvt.f32.s32 v18  }
0x12a: {  	v21 =	vcvt.f32.s32 v21;
	v19 =	vcvt.f32.s32 v55  }
0x12b: {  	v22 =	vmul.f32 $3.500000000e+00, v51;
	v56 =	vmul.f32 $3.500000000e+00, v53  }
0x12c: {  	v17 =	vshll.u32 v17, $0x9;
	v57 =	vmul.f32 $3.500000000e+00, v54;
	v16 =	vmul.f32 $3.500000000e+00, v16  }
0x12d: {  	v23 =	vcvt.f32.s32 v23;
	v22 =	vadd.f32 $4.000000000e+00, v22;
	v20 =	vadd.f32 $4.000000000e+00, v56  }
0x12e: {  	v18 =	vshll.u32 v18, $0x3;
	v24 =	vadd.f32 $4.000000000e+00, v57;
	v16 =	vadd.f32 $4.000000000e+00, v16  }
0x12f: {  	v18 =	vor.u32 v21, v18;
	v22 =	vmax.f32 v22, $0.0e+00;
	v20 =	vmax.f32 v20, $0.0e+00  }
0x130: {  	v59 =	vmax.f32 v24, $0.0e+00;
	v16 =	vmax.f32 v16, $0.0e+00;
	v58 =	vmin.f32 v22, $7.500000000e+00  }
0x131: {  	v20 =	vmin.f32 v20, $7.500000000e+00;
	v22 =	vmin.f32 v59, $7.500000000e+00;
	v21 =	vtrunc.f32 v58  }
0x132: {  	v16 =	vmin.f32 v16, $7.500000000e+00;
	v20 =	vtrunc.f32 v20;
	v22 =	vtrunc.f32 v22  }
0x133: {  	v17 =	vor.u32 v17, v49;
	v16 =	vtrunc.f32 v16;
	v21 =	vcvt.f32.s32 v21  }
0x134: {  	v19 =	vshll.u32 v19, $0x6;
	v20 =	vcvt.f32.s32 v20;
	v22 =	vcvt.f32.s32 v22  }
0x135: {  	v61 =	vshll.u32 v23, $0x9;
	v16 =	vcvt.f32.s32 v16;
	v60 =	vshll.u32 v21, $0x3  }
0x136: {  	v18 =	vor.u32 v19, v18;
	v62 =	vshll.u32 v22, $0x6;
	v19 =	vor.u32 v20, v60  }
0x137: {  	s9 =	sadd.s32 $0x1, s9;
	[tilespmem:s11+$0xFFFFFFB0] =	vst v17;
	v17 =	vor.u32 v61, v18;
	v16 =	vshll.u32 v16, $0x9;
	v63 =	vor.u32 v62, v19  }
0x138: {  	p0 =	sne.s32 s9, s5;
	[tilespmem:s10+$0x30] =	vst v17;
	v16 =	vor.u32 v16, v63  }
.Ltmp1:
0x139: {  	[tilespmem:s10+$0xFFFFFFB0] =	vst v16;
	(pc) =	sbr.rel @p0 .LBB2_1-.Ltmp1, $4  }
0x13a: {  	[hbm4b:s4+s2] =	stream.linear.scatter [tilespmem:s7], [sflag:$0x2], $0x2000, $0x38;
	[tilespmem:$0x6000] =	vst v63  }
0x13b: {  	_ =	swait.ge [sflag:s8], $0x2000  }
0x13c: {  	[sflag:s8] =	ssyncset.done $0x0  }
0x13d: {  	[sflag:s8] =	ssyncadd.s32 $0xFFFFE000  }
0x13e: {  	_ =	sfence.sel $0x180000  }
0x13f: {  	[bflag:$0x0] =	sbarrier.arrive $0xFFFF  }
0x140: {  	p0 =	sne.s32 s0, $0x0;
	_ =	strace $0x90000047  }
0x141: {  	s0 =	sadd.s32 @!p0 $0x100000, s1;
	[bflag:$0x2] =	sbarrier.arrive $0xFFFF  }
0x142: {  	[sflag:s0] =	ssyncadd.tile.s32 @!p0 $0x1;
	_ =	shalt  }
.Lfunc_end2:
_tile_overlayer_lowered:
.L_overlay_start_2:
0x143: {  	(tag) =	ssettag $0x2  }
0x144: {  	s0 =	rddreg [dreg:$0x0];
	s2 =	stileid.u32  }
0x145: {  	s1 =	rddreg [dreg:$0x1];
	p0 =	sne.s32 s2, $0x0  }
0x146: {  	s3 =	rddreg [dreg:$0x2];
	[bflag:$0x3] =	sbarrier.arrive $0xFFFF;
	s2 =	simm.s32 @!p0 $0x1C03  }
0x147: {  	[timem:s3], [sflag:s2] =	dma.local @!p0 [hbm:s0], s1  }
0x148: {  	s0 =	simm.s32 @!p0 $0x3  }
0x149: {  	_ =	swait.ge @!p0 [sflag:s0], s1  }
0x14a: {  	s1 =	ssub.s32 @!p0 $0x0, s1;
	[sflag:s0] =	ssyncset.done @!p0 $0x0  }
0x14b: {  	[sflag:s0] =	ssyncadd.s32 @!p0 s1  }
0x14c: {  	[bflag:$0x3] =	sbarrier.arrive $0xFFFF  }
0x14d: {  	_ =	shalt  }

</sc_bundles>
